<compile_context>
chip_gen: v7x
topology: tpu7x:2x2x1
jax: 0.10.2.dev20260603
libtpu: 0.0.44.dev20260713+nightly
codegen_flags: <defaults>
</compile_context>

<pallas_src>
import functools

import jax
import jax.numpy as jnp
from jax import lax
from jax.experimental import pallas as pl
from jax.experimental.pallas import tpu as pltpu
from jax.experimental.pallas import tpu_sc as plsc

N = 10000
E = 320000
D = 128

NP = 10240
ROWS_PER_TILE = NP // 16
NW = 32
CHUNK = 128
NCHUNK = 79
EW = NCHUNK * CHUNK
EPAD = NW * EW

BLK = 256
GRID = NP // BLK

_mesh = plsc.VectorSubcoreMesh(core_axis_name="c", subcore_axis_name="s")


def _tile_slices(sid):
    return pl.ds(sid * ROWS_PER_TILE, ROWS_PER_TILE)



def _sc_deg_body(dst_hbm, zeros1_hbm, deg_out, dst_v, ones_v, acc_sh):
    cid = lax.axis_index("c")
    sid = lax.axis_index("s")
    wid = cid * 16 + sid
    sl = _tile_slices(sid)
    pltpu.sync_copy(zeros1_hbm.at[sl], acc_sh.at[sl])
    for i in range(CHUNK // 16):
        ones_v[pl.ds(i * 16, 16)] = jnp.ones((16,), jnp.float32)
    pltpu.sync_copy(dst_hbm.at[wid], dst_v)
    plsc.subcore_barrier()

    @pl.loop(0, NCHUNK)
    def _(j):
        pltpu.sync_copy(ones_v, acc_sh.at[dst_v.at[j]], add=True)

    plsc.subcore_barrier()
    pltpu.sync_copy(acc_sh.at[sl], deg_out.at[cid, sl])


def _sc_deg(dst_p, zeros1):
    return pl.kernel(
        _sc_deg_body,
        out_type=jax.ShapeDtypeStruct((2, NP), jnp.float32),
        mesh=_mesh,
        scratch_types=[
            pltpu.VMEM((NCHUNK, CHUNK), jnp.int32),
            pltpu.VMEM((CHUNK,), jnp.float32),
            pltpu.VMEM_SHARED((NP,), jnp.float32),
        ],
    )(dst_p, zeros1)


def _sc_agg_body(u_hbm, src_hbm, dst_hbm, zeros_hbm, part_out,
                 src_i, dst_i, rows_v, sem_i, sem_g0, sem_g1, acc_sh):
    cid = lax.axis_index("c")
    sid = lax.axis_index("s")
    wid = cid * 16 + sid
    sl = _tile_slices(sid)
    sem_g = (sem_g0, sem_g1)
    pltpu.sync_copy(zeros_hbm.at[sl], acc_sh.at[sl])
    plsc.subcore_barrier()

    pltpu.sync_copy(src_hbm.at[wid], src_i)
    pltpu.sync_copy(dst_hbm.at[wid], dst_i)

    @pl.loop(0, NCHUNK)
    def _(j):
        pltpu.async_copy(u_hbm.at[src_i.at[j]], rows_v, sem_g0).wait()
        pltpu.sync_copy(rows_v, acc_sh.at[dst_i.at[j]], add=True)

    plsc.subcore_barrier()
    pltpu.sync_copy(acc_sh.at[sl], part_out.at[cid, sl])


def _sc_agg(u, src_p, dst_p, zeros):
    return pl.kernel(
        _sc_agg_body,
        out_type=jax.ShapeDtypeStruct((2, NP, D), jnp.float32),
        mesh=_mesh,
        scratch_types=[
            pltpu.VMEM((NCHUNK, CHUNK), jnp.int32),
            pltpu.VMEM((NCHUNK, CHUNK), jnp.int32),
            pltpu.VMEM((CHUNK, D), jnp.float32),
            pltpu.SemaphoreType.DMA,
            pltpu.SemaphoreType.DMA,
            pltpu.SemaphoreType.DMA,
            pltpu.VMEM_SHARED((NP, D), jnp.float32),
        ],
    )(u, src_p, dst_p, zeros)


def _sc_zagg_body(z_hbm, src_hbm, dst_hbm, zeros1_hbm, q_out,
                  src_v, dst_v, vals_v, sem, acc_sh):
    cid = lax.axis_index("c")
    sid = lax.axis_index("s")
    wid = cid * 16 + sid
    sl = _tile_slices(sid)
    pltpu.sync_copy(zeros1_hbm.at[sl], acc_sh.at[sl])
    pltpu.sync_copy(src_hbm.at[wid], src_v)
    pltpu.sync_copy(dst_hbm.at[wid], dst_v)
    plsc.subcore_barrier()

    @pl.loop(0, NCHUNK)
    def _(j):
        pltpu.async_copy(z_hbm.at[src_v.at[j]], vals_v, sem).wait()
        pltpu.sync_copy(vals_v, acc_sh.at[dst_v.at[j]], add=True)

    plsc.subcore_barrier()
    pltpu.sync_copy(acc_sh.at[sl], q_out.at[cid, sl])


def _sc_zagg(z, src_p, dst_p, zeros1):
    return pl.kernel(
        _sc_zagg_body,
        out_type=jax.ShapeDtypeStruct((2, NP), jnp.float32),
        mesh=_mesh,
        scratch_types=[
            pltpu.VMEM((NCHUNK, CHUNK), jnp.int32),
            pltpu.VMEM((NCHUNK, CHUNK), jnp.int32),
            pltpu.VMEM((CHUNK,), jnp.float32),
            pltpu.SemaphoreType.DMA,
            pltpu.VMEM_SHARED((NP,), jnp.float32),
        ],
    )(z, src_p, dst_p, zeros1)



def _t1_body(x_ref, w1_ref, degp_ref, dinv_ref, u1_ref):
    deg = degp_ref[...][0] + degp_ref[...][1] + 1.0
    dinv = (1.0 / jnp.sqrt(deg))[:, None]
    xw = jnp.dot(x_ref[...], w1_ref[...], preferred_element_type=jnp.float32)
    dinv_ref[...] = dinv
    u1_ref[...] = xw * dinv


def _t1(x, W1, degp):
    return pl.pallas_call(
        _t1_body,
        grid=(GRID,),
        in_specs=[
            pl.BlockSpec((BLK, D), lambda i: (i, 0)),
            pl.BlockSpec((D, D), lambda i: (0, 0)),
            pl.BlockSpec((2, BLK), lambda i: (0, i)),
        ],
        out_specs=[
            pl.BlockSpec((BLK, 1), lambda i: (i, 0)),
            pl.BlockSpec((BLK, D), lambda i: (i, 0)),
        ],
        out_shape=[
            jax.ShapeDtypeStruct((NP, 1), jnp.float32),
            jax.ShapeDtypeStruct((NP, D), jnp.float32),
        ],
    )(x, W1, degp)


def _t2_body(p_ref, u_ref, dinv_ref, b_ref, w_ref, out_ref):
    p = p_ref[...]
    dinv = dinv_ref[...]
    h = jnp.maximum(dinv * (p[0] + p[1] + u_ref[...]) + b_ref[...], 0.0)
    out_ref[...] = dinv * jnp.dot(h, w_ref[...], preferred_element_type=jnp.float32)


def _t2(part, u, dinv, b, W):
    return pl.pallas_call(
        _t2_body,
        grid=(GRID,),
        in_specs=[
            pl.BlockSpec((2, BLK, D), lambda i: (0, i, 0)),
            pl.BlockSpec((BLK, D), lambda i: (i, 0)),
            pl.BlockSpec((BLK, 1), lambda i: (i, 0)),
            pl.BlockSpec((1, D), lambda i: (0, 0)),
            pl.BlockSpec((D, D), lambda i: (0, 0)),
        ],
        out_specs=pl.BlockSpec((BLK, D), lambda i: (i, 0)),
        out_shape=jax.ShapeDtypeStruct((NP, D), jnp.float32),
    )(part, u, dinv, b, W)


def _t3_body(p_ref, u_ref, dinv_ref, b_ref, w3_ref, z_ref):
    p = p_ref[...]
    dinv = dinv_ref[...]
    h = jnp.maximum(dinv * (p[0] + p[1] + u_ref[...]) + b_ref[...], 0.0)
    z_ref[...] = dinv * jnp.dot(h, w3_ref[...], preferred_element_type=jnp.float32)


def _t3(part, u, dinv, b, w3pad):
    return pl.pallas_call(
        _t3_body,
        grid=(GRID,),
        in_specs=[
            pl.BlockSpec((2, BLK, D), lambda i: (0, i, 0)),
            pl.BlockSpec((BLK, D), lambda i: (i, 0)),
            pl.BlockSpec((BLK, 1), lambda i: (i, 0)),
            pl.BlockSpec((1, D), lambda i: (0, 0)),
            pl.BlockSpec((D, 8), lambda i: (0, 0)),
        ],
        out_specs=pl.BlockSpec((BLK, 8), lambda i: (i, 0)),
        out_shape=jax.ShapeDtypeStruct((NP, 8), jnp.float32),
    )(part, u, dinv, b, w3pad)


def _t4_body(q_ref, z_ref, dinv_ref, b3_ref, out_ref):
    q = q_ref[...]
    qs = (q[0] + q[1])[:, None]
    out_ref[...] = jnp.maximum(
        dinv_ref[...] * (qs + z_ref[...]) + b3_ref[0, 0], 0.0)


def _t4(qp, z, dinv, b3):
    return pl.pallas_call(
        _t4_body,
        grid=(GRID,),
        in_specs=[
            pl.BlockSpec((2, BLK), lambda i: (0, i)),
            pl.BlockSpec((BLK, 1), lambda i: (i, 0)),
            pl.BlockSpec((BLK, 1), lambda i: (i, 0)),
            pl.BlockSpec((1, 1), lambda i: (0, 0)),
        ],
        out_specs=pl.BlockSpec((BLK, 1), lambda i: (i, 0)),
        out_shape=jax.ShapeDtypeStruct((NP, 1), jnp.float32),
    )(qp, z, dinv, b3)



def kernel(features, edges, W1, b1, W2, b2, W3, b3):
    x = jnp.pad(features, ((0, NP - N), (0, 0)))
    src = edges[0].astype(jnp.int32)
    dst = edges[1].astype(jnp.int32)
    pad = EPAD - E
    src_p = jnp.concatenate([src, jnp.zeros((pad,), jnp.int32)]).reshape(NW, NCHUNK, CHUNK)
    dst_p = jnp.concatenate([dst, jnp.full((pad,), N, jnp.int32)]).reshape(NW, NCHUNK, CHUNK)
    zeros = jnp.zeros((NP, D), jnp.float32)
    zeros1 = jnp.zeros((NP,), jnp.float32)

    degp = _sc_deg(dst_p, zeros1)
    dinv, u1 = _t1(x, W1, degp)
    p1 = _sc_agg(u1, src_p, dst_p, zeros)
    u2 = _t2(p1, u1, dinv, b1.reshape(1, D), W2)
    p2 = _sc_agg(u2, src_p, dst_p, zeros)
    w3pad = jnp.pad(W3, ((0, 0), (0, 7)))
    z3 = _t3(p2, u2, dinv, b2.reshape(1, D), w3pad)[:, :1]
    qp = _sc_zagg(z3.reshape(NP), src_p, dst_p, zeros1)
    out = _t4(qp, z3, dinv, b3.reshape(1, 1))
    return out[:N]

# --- scband reference (transcript-rebuilt; emitter-appended) ---
"""Pipeline reference for scband-caps-gnn-68487548502403 (READ-ONLY COPY).

The authoritative reference and input builder live on the scoring server;
editing this copy changes nothing except your own understanding.
"""

import jax, jax.numpy as jnp
import numpy as np

N_NODES = 10000
N_EDGES = 320000
D_FEAT = 128
GCN_FILTERS = 128


def gcn_conv(x, edge_index, W, b):
    # torch_geometric GCNConv: add self-loops, symmetric normalization, x @ W, scatter-add, + bias
    N = x.shape[0]
    src = jnp.concatenate([edge_index[0], jnp.arange(N, dtype=edge_index.dtype)])
    dst = jnp.concatenate([edge_index[1], jnp.arange(N, dtype=edge_index.dtype)])
    deg = jnp.zeros((N,), dtype=x.dtype).at[dst].add(1.0)
    dinv = 1.0 / jnp.sqrt(deg)
    norm = dinv[src] * dinv[dst]
    xw = x @ W
    msg = jnp.take(xw, src, axis=0) * norm[:, None]
    out = jnp.zeros((N, W.shape[1]), dtype=x.dtype).at[dst].add(msg)
    return out + b


def setup_inputs(seed: int = 0) -> dict:
    key = jax.random.key(seed)
    k1, k2, k3, k4, k5 = jax.random.split(key, 5)
    features = jax.random.normal(k1, (N_NODES, D_FEAT), dtype=jnp.float32)
    edges = jax.random.randint(k2, (2, N_EDGES), 0, N_NODES, dtype=jnp.int64)
    s1 = 1.0 / np.sqrt(D_FEAT)
    s2 = 1.0 / np.sqrt(GCN_FILTERS)
    W1 = jax.random.uniform(k3, (D_FEAT, GCN_FILTERS), jnp.float32, -s1, s1)
    b1 = jnp.zeros((GCN_FILTERS,), jnp.float32)
    W2 = jax.random.uniform(k4, (GCN_FILTERS, GCN_FILTERS), jnp.float32, -s2, s2)
    b2 = jnp.zeros((GCN_FILTERS,), jnp.float32)
    W3 = jax.random.uniform(k5, (GCN_FILTERS, 1), jnp.float32, -s2, s2)
    b3 = jnp.zeros((1,), jnp.float32)
    return {"features": features, "edges": edges, "W1": W1, "b1": b1, "W2": W2, "b2": b2, "W3": W3, "b3": b3}


def reference(features, edges, W1, b1, W2, b2, W3, b3):
    # CapsGNN._setup_layers only builds base GCN stack; forward applies each
    # layer with ReLU and returns the last hidden representation ([N, 1]).
    h = jax.nn.relu(gcn_conv(features, edges, W1, b1))
    h = jax.nn.relu(gcn_conv(h, edges, W2, b2))
    h = jax.nn.relu(gcn_conv(h, edges, W3, b3))
    return h

if __name__ == "__main__":
    import jax
    _d = setup_inputs()
    print(jax.jit(kernel)(*tuple(_d.values())))

</pallas_src>

<mosaic_0001>
#map = affine_map<(d0, d1) -> (0, 0)>
#map1 = affine_map<(d0, d1) -> (0, 0, 0)>
module attributes {stable_mosaic.version = 14 : i64} {
  func.func @_sc_agg_body(%arg0: i32, %arg1: i32, %arg2: memref<10240x128xf32, #tpu.memory_space<hbm>>, %arg3: memref<32x79x128xi32, #tpu.memory_space<hbm>>, %arg4: memref<32x79x128xi32, #tpu.memory_space<hbm>>, %arg5: memref<10240x128xf32, #tpu.memory_space<hbm>>, %arg6: memref<2x10240x128xf32, #tpu.memory_space<hbm>>, %arg7: memref<79x128xi32, #tpu.memory_space<vmem>>, %arg8: memref<79x128xi32, #tpu.memory_space<vmem>>, %arg9: memref<128x128xf32, #tpu.memory_space<vmem>>, %arg10: memref<!tpu.dma_semaphore, #tpu.memory_space<semaphore_mem>>, %arg11: memref<!tpu.dma_semaphore, #tpu.memory_space<semaphore_mem>>, %arg12: memref<!tpu.dma_semaphore, #tpu.memory_space<semaphore_mem>>, %arg13: memref<10240x128xf32, #tpu.memory_space<vmem_shared>>) attributes {dimension_semantics = [#tpu.dimension_semantics<core_parallel>, #tpu.dimension_semantics<subcore_parallel>], iteration_bounds = array<i64: 2, 16>, scalar_prefetch = 0 : i64, scratch_operands = 7 : i64, tpu.core_type = #tpu.core_type<sc_vector_subcore>, window_params = [{transform_indices = #map}, {transform_indices = #map1}, {transform_indices = #map1}, {transform_indices = #map}, {transform_indices = #map1}]} {
    %mul3A = arith.constant 16 : i32
    %mul3A_0 = arith.muli %arg0, %mul3A : i32
    %add3A = arith.addi %mul3A_0, %arg1 : i32
    %mul3A_1 = arith.constant 640 : i32
    %mul3A_2 = arith.muli %arg1, %mul3A_1 : i32
    "tpu.region"() ({
      %run_scoped3A = tpu.sem_alloc : memref<!tpu.dma_semaphore, #tpu.memory_space<semaphore_mem>>
      %dma_start3A = arith.constant 0 : i32
      %dma_start3A_8 = tpu.memref_slice %arg13[%mul3A_2, %dma_start3A] : memref<10240x128xf32, #tpu.memory_space<vmem_shared>> -> memref<640x128xf32, #tpu.memory_space<vmem_shared>>
      %dma_start3A_9 = arith.constant 0 : i32
      %dma_start3A_10 = tpu.memref_slice %arg5[%mul3A_2, %dma_start3A_9] : memref<10240x128xf32, #tpu.memory_space<hbm>> -> memref<640x128xf32, #tpu.memory_space<hbm>>
      tpu.enqueue_dma source(%dma_start3A_10 : memref<640x128xf32, #tpu.memory_space<hbm>>) target(%dma_start3A_8 : memref<640x128xf32, #tpu.memory_space<vmem_shared>>) target_semaphore(%run_scoped3A : memref<!tpu.dma_semaphore, #tpu.memory_space<semaphore_mem>>)
      %dma_wait3A = arith.constant 0 : i32
      %dma_wait3A_11 = tpu.memref_slice %arg13[%mul3A_2, %dma_wait3A] : memref<10240x128xf32, #tpu.memory_space<vmem_shared>> -> memref<640x128xf32, #tpu.memory_space<vmem_shared>>
      %dma_wait3A_12 = arith.constant 0 : i32
      %dma_wait3A_13 = tpu.memref_slice %arg5[%mul3A_2, %dma_wait3A_12] : memref<10240x128xf32, #tpu.memory_space<hbm>> -> memref<640x128xf32, #tpu.memory_space<hbm>>
      tpu.wait_dma2 semaphore(%run_scoped3A : memref<!tpu.dma_semaphore, #tpu.memory_space<semaphore_mem>>) src(%dma_wait3A_13 : memref<640x128xf32, #tpu.memory_space<hbm>>) dst(%dma_wait3A_11 : memref<640x128xf32, #tpu.memory_space<vmem_shared>>)
      tpu.yield
    }) : () -> ()
    %barrier3A = arith.constant 0 : index
    tpu.barrier barrier_id(%barrier3A)
    "tpu.region"() ({
      %run_scoped3A = tpu.sem_alloc : memref<!tpu.dma_semaphore, #tpu.memory_space<semaphore_mem>>
      %dma_start3A = arith.constant 0 : i32
      %dma_start3A_8 = arith.constant 0 : i32
      %dma_start3A_9 = tpu.memref_slice %arg3[%add3A, %dma_start3A, %dma_start3A_8] : memref<32x79x128xi32, #tpu.memory_space<hbm>> -> memref<1x79x128xi32, #tpu.memory_space<hbm>>
      %dma_start3A_10 = tpu.memref_squeeze %dma_start3A_9 : memref<1x79x128xi32, #tpu.memory_space<hbm>> -> memref<79x128xi32, #tpu.memory_space<hbm>>
      %dma_start3A_11 = arith.constant 0 : i32
      %dma_start3A_12 = arith.constant 0 : i32
      %dma_start3A_13 = tpu.memref_slice %arg3[%add3A, %dma_start3A_11, %dma_start3A_12] : memref<32x79x128xi32, #tpu.memory_space<hbm>> -> memref<1x79x128xi32, #tpu.memory_space<hbm>>
      %dma_start3A_14 = tpu.memref_squeeze %dma_start3A_13 : memref<1x79x128xi32, #tpu.memory_space<hbm>> -> memref<79x128xi32, #tpu.memory_space<hbm>>
      tpu.enqueue_dma source(%dma_start3A_14 : memref<79x128xi32, #tpu.memory_space<hbm>>) target(%arg7 : memref<79x128xi32, #tpu.memory_space<vmem>>) target_semaphore(%run_scoped3A : memref<!tpu.dma_semaphore, #tpu.memory_space<semaphore_mem>>)
      %dma_wait3A = arith.constant 0 : i32
      %dma_wait3A_15 = arith.constant 0 : i32
      %dma_wait3A_16 = tpu.memref_slice %arg3[%add3A, %dma_wait3A, %dma_wait3A_15] : memref<32x79x128xi32, #tpu.memory_space<hbm>> -> memref<1x79x128xi32, #tpu.memory_space<hbm>>
      %dma_wait3A_17 = tpu.memref_squeeze %dma_wait3A_16 : memref<1x79x128xi32, #tpu.memory_space<hbm>> -> memref<79x128xi32, #tpu.memory_space<hbm>>
      %dma_wait3A_18 = arith.constant 0 : i32
      %dma_wait3A_19 = arith.constant 0 : i32
      %dma_wait3A_20 = tpu.memref_slice %arg3[%add3A, %dma_wait3A_18, %dma_wait3A_19] : memref<32x79x128xi32, #tpu.memory_space<hbm>> -> memref<1x79x128xi32, #tpu.memory_space<hbm>>
      %dma_wait3A_21 = tpu.memref_squeeze %dma_wait3A_20 : memref<1x79x128xi32, #tpu.memory_space<hbm>> -> memref<79x128xi32, #tpu.memory_space<hbm>>
      tpu.wait_dma2 semaphore(%run_scoped3A : memref<!tpu.dma_semaphore, #tpu.memory_space<semaphore_mem>>) src(%dma_wait3A_21 : memref<79x128xi32, #tpu.memory_space<hbm>>) dst(%arg7 : memref<79x128xi32, #tpu.memory_space<vmem>>)
      tpu.yield
    }) : () -> ()
    "tpu.region"() ({
      %run_scoped3A = tpu.sem_alloc : memref<!tpu.dma_semaphore, #tpu.memory_space<semaphore_mem>>
      %dma_start3A = arith.constant 0 : i32
      %dma_start3A_8 = arith.constant 0 : i32
      %dma_start3A_9 = tpu.memref_slice %arg4[%add3A, %dma_start3A, %dma_start3A_8] : memref<32x79x128xi32, #tpu.memory_space<hbm>> -> memref<1x79x128xi32, #tpu.memory_space<hbm>>
      %dma_start3A_10 = tpu.memref_squeeze %dma_start3A_9 : memref<1x79x128xi32, #tpu.memory_space<hbm>> -> memref<79x128xi32, #tpu.memory_space<hbm>>
      %dma_start3A_11 = arith.constant 0 : i32
      %dma_start3A_12 = arith.constant 0 : i32
      %dma_start3A_13 = tpu.memref_slice %arg4[%add3A, %dma_start3A_11, %dma_start3A_12] : memref<32x79x128xi32, #tpu.memory_space<hbm>> -> memref<1x79x128xi32, #tpu.memory_space<hbm>>
      %dma_start3A_14 = tpu.memref_squeeze %dma_start3A_13 : memref<1x79x128xi32, #tpu.memory_space<hbm>> -> memref<79x128xi32, #tpu.memory_space<hbm>>
      tpu.enqueue_dma source(%dma_start3A_14 : memref<79x128xi32, #tpu.memory_space<hbm>>) target(%arg8 : memref<79x128xi32, #tpu.memory_space<vmem>>) target_semaphore(%run_scoped3A : memref<!tpu.dma_semaphore, #tpu.memory_space<semaphore_mem>>)
      %dma_wait3A = arith.constant 0 : i32
      %dma_wait3A_15 = arith.constant 0 : i32
      %dma_wait3A_16 = tpu.memref_slice %arg4[%add3A, %dma_wait3A, %dma_wait3A_15] : memref<32x79x128xi32, #tpu.memory_space<hbm>> -> memref<1x79x128xi32, #tpu.memory_space<hbm>>
      %dma_wait3A_17 = tpu.memref_squeeze %dma_wait3A_16 : memref<1x79x128xi32, #tpu.memory_space<hbm>> -> memref<79x128xi32, #tpu.memory_space<hbm>>
      %dma_wait3A_18 = arith.constant 0 : i32
      %dma_wait3A_19 = arith.constant 0 : i32
      %dma_wait3A_20 = tpu.memref_slice %arg4[%add3A, %dma_wait3A_18, %dma_wait3A_19] : memref<32x79x128xi32, #tpu.memory_space<hbm>> -> memref<1x79x128xi32, #tpu.memory_space<hbm>>
      %dma_wait3A_21 = tpu.memref_squeeze %dma_wait3A_20 : memref<1x79x128xi32, #tpu.memory_space<hbm>> -> memref<79x128xi32, #tpu.memory_space<hbm>>
      tpu.wait_dma2 semaphore(%run_scoped3A : memref<!tpu.dma_semaphore, #tpu.memory_space<semaphore_mem>>) src(%dma_wait3A_21 : memref<79x128xi32, #tpu.memory_space<hbm>>) dst(%arg8 : memref<79x128xi32, #tpu.memory_space<vmem>>)
      tpu.yield
    }) : () -> ()
    %scan3A = arith.constant 0 : i32
    %scan3A_3 = arith.constant 79 : i32
    %scan3A_4 = arith.addi %scan3A, %scan3A_3 : i32
    %scan3A_5 = arith.constant 1 : i32
    scf.for %scan3A_8 = %scan3A to %scan3A_4 step %scan3A_5  : i32 {
      %mul3A_9 = arith.constant 1 : i32
      %mul3A_10 = arith.muli %scan3A_8, %mul3A_9 : i32
      %add3A_11 = arith.constant 0 : i32
      %add3A_12 = arith.addi %add3A_11, %mul3A_10 : i32
      %dma_start3A = arith.constant 0 : i32
      %dma_start3A_13 = tpu.memref_slice %arg7[%add3A_12, %dma_start3A] : memref<79x128xi32, #tpu.memory_space<vmem>> -> memref<1x128xi32, #tpu.memory_space<vmem>>
      %dma_start3A_14 = tpu.memref_squeeze %dma_start3A_13 : memref<1x128xi32, #tpu.memory_space<vmem>> -> memref<128xi32, #tpu.memory_space<vmem>>
      %dma_start3A_15 = arith.constant 0 : i32
      %dma_start3A_16 = arith.constant 0 : i32
      %dma_start3A_17 = tpu.memref_slice %arg2[%dma_start3A_15, %dma_start3A_16] : memref<10240x128xf32, #tpu.memory_space<hbm>> -> memref<10240x128xf32, #tpu.memory_space<hbm>>
      tpu.enqueue_indirect_dma source(%dma_start3A_17 : memref<10240x128xf32, #tpu.memory_space<hbm>>) target(%arg9 : memref<128x128xf32, #tpu.memory_space<vmem>>) offsets(%dma_start3A_14 : memref<128xi32, #tpu.memory_space<vmem>>) semaphore(%arg11 : memref<!tpu.dma_semaphore, #tpu.memory_space<semaphore_mem>>)
      %dma_wait3A = arith.constant 0 : i32
      %dma_wait3A_18 = tpu.memref_slice %arg7[%add3A_12, %dma_wait3A] : memref<79x128xi32, #tpu.memory_space<vmem>> -> memref<1x128xi32, #tpu.memory_space<vmem>>
      %dma_wait3A_19 = tpu.memref_squeeze %dma_wait3A_18 : memref<1x128xi32, #tpu.memory_space<vmem>> -> memref<128xi32, #tpu.memory_space<vmem>>
      %dma_wait3A_20 = arith.constant 0 : i32
      %dma_wait3A_21 = arith.constant 0 : i32
      %dma_wait3A_22 = tpu.memref_slice %arg2[%dma_wait3A_20, %dma_wait3A_21] : memref<10240x128xf32, #tpu.memory_space<hbm>> -> memref<10240x128xf32, #tpu.memory_space<hbm>>
      tpu.wait_indirect_dma semaphore(%arg11 : memref<!tpu.dma_semaphore, #tpu.memory_space<semaphore_mem>>) src(%dma_wait3A_22 : memref<10240x128xf32, #tpu.memory_space<hbm>>) dst(%arg9 : memref<128x128xf32, #tpu.memory_space<vmem>>)
      "tpu.region"() ({
        %run_scoped3A = tpu.sem_alloc : memref<!tpu.dma_semaphore, #tpu.memory_space<semaphore_mem>>
        %dma_start3A_23 = arith.constant 0 : i32
        %dma_start3A_24 = tpu.memref_slice %arg8[%add3A_12, %dma_start3A_23] : memref<79x128xi32, #tpu.memory_space<vmem>> -> memref<1x128xi32, #tpu.memory_space<vmem>>
        %dma_start3A_25 = tpu.memref_squeeze %dma_start3A_24 : memref<1x128xi32, #tpu.memory_space<vmem>> -> memref<128xi32, #tpu.memory_space<vmem>>
        %dma_start3A_26 = arith.constant 0 : i32
        %dma_start3A_27 = arith.constant 0 : i32
        %dma_start3A_28 = tpu.memref_slice %arg13[%dma_start3A_26, %dma_start3A_27] : memref<10240x128xf32, #tpu.memory_space<vmem_shared>> -> memref<10240x128xf32, #tpu.memory_space<vmem_shared>>
        tpu.enqueue_indirect_dma source(%arg9 : memref<128x128xf32, #tpu.memory_space<vmem>>) target(%dma_start3A_28 : memref<10240x128xf32, #tpu.memory_space<vmem_shared>>) offsets(%dma_start3A_25 : memref<128xi32, #tpu.memory_space<vmem>>) semaphore(%run_scoped3A : memref<!tpu.dma_semaphore, #tpu.memory_space<semaphore_mem>>) {add = true}
        %dma_wait3A_29 = arith.constant 0 : i32
        %dma_wait3A_30 = tpu.memref_slice %arg8[%add3A_12, %dma_wait3A_29] : memref<79x128xi32, #tpu.memory_space<vmem>> -> memref<1x128xi32, #tpu.memory_space<vmem>>
        %dma_wait3A_31 = tpu.memref_squeeze %dma_wait3A_30 : memref<1x128xi32, #tpu.memory_space<vmem>> -> memref<128xi32, #tpu.memory_space<vmem>>
        %dma_wait3A_32 = arith.constant 0 : i32
        %dma_wait3A_33 = arith.constant 0 : i32
        %dma_wait3A_34 = tpu.memref_slice %arg13[%dma_wait3A_32, %dma_wait3A_33] : memref<10240x128xf32, #tpu.memory_space<vmem_shared>> -> memref<10240x128xf32, #tpu.memory_space<vmem_shared>>
        tpu.wait_indirect_dma semaphore(%run_scoped3A : memref<!tpu.dma_semaphore, #tpu.memory_space<semaphore_mem>>) src(%arg9 : memref<128x128xf32, #tpu.memory_space<vmem>>) dst(%dma_wait3A_34 : memref<10240x128xf32, #tpu.memory_space<vmem_shared>>)
        tpu.yield
      }) : () -> ()
    }
    %scan3A_6 = arith.constant 79 : i32
    %barrier3A_7 = arith.constant 0 : index
    tpu.barrier barrier_id(%barrier3A_7)
    "tpu.region"() ({
      %run_scoped3A = tpu.sem_alloc : memref<!tpu.dma_semaphore, #tpu.memory_space<semaphore_mem>>
      %dma_start3A = arith.constant 0 : i32
      %dma_start3A_8 = tpu.memref_slice %arg6[%arg0, %mul3A_2, %dma_start3A] : memref<2x10240x128xf32, #tpu.memory_space<hbm>> -> memref<1x640x128xf32, #tpu.memory_space<hbm>>
      %dma_start3A_9 = tpu.memref_squeeze %dma_start3A_8 : memref<1x640x128xf32, #tpu.memory_space<hbm>> -> memref<640x128xf32, #tpu.memory_space<hbm>>
      %dma_start3A_10 = arith.constant 0 : i32
      %dma_start3A_11 = tpu.memref_slice %arg13[%mul3A_2, %dma_start3A_10] : memref<10240x128xf32, #tpu.memory_space<vmem_shared>> -> memref<640x128xf32, #tpu.memory_space<vmem_shared>>
      tpu.enqueue_dma source(%dma_start3A_11 : memref<640x128xf32, #tpu.memory_space<vmem_shared>>) target(%dma_start3A_9 : memref<640x128xf32, #tpu.memory_space<hbm>>) target_semaphore(%run_scoped3A : memref<!tpu.dma_semaphore, #tpu.memory_space<semaphore_mem>>)
      %dma_wait3A = arith.constant 0 : i32
      %dma_wait3A_12 = tpu.memref_slice %arg6[%arg0, %mul3A_2, %dma_wait3A] : memref<2x10240x128xf32, #tpu.memory_space<hbm>> -> memref<1x640x128xf32, #tpu.memory_space<hbm>>
      %dma_wait3A_13 = tpu.memref_squeeze %dma_wait3A_12 : memref<1x640x128xf32, #tpu.memory_space<hbm>> -> memref<640x128xf32, #tpu.memory_space<hbm>>
      %dma_wait3A_14 = arith.constant 0 : i32
      %dma_wait3A_15 = tpu.memref_slice %arg13[%mul3A_2, %dma_wait3A_14] : memref<10240x128xf32, #tpu.memory_space<vmem_shared>> -> memref<640x128xf32, #tpu.memory_space<vmem_shared>>
      tpu.wait_dma2 semaphore(%run_scoped3A : memref<!tpu.dma_semaphore, #tpu.memory_space<semaphore_mem>>) src(%dma_wait3A_15 : memref<640x128xf32, #tpu.memory_space<vmem_shared>>) dst(%dma_wait3A_13 : memref<640x128xf32, #tpu.memory_space<hbm>>)
      tpu.yield
    }) : () -> ()
    return
  }
}

#map = affine_map<(d0, d1) -> (0, 0, 0)>
#map1 = affine_map<(d0, d1) -> (0)>
#map2 = affine_map<(d0, d1) -> (0, 0)>
module attributes {stable_mosaic.version = 14 : i64} {
  func.func @_sc_deg_body(%arg0: i32, %arg1: i32, %arg2: memref<32x79x128xi32, #tpu.memory_space<hbm>>, %arg3: memref<10240xf32, #tpu.memory_space<hbm>>, %arg4: memref<2x10240xf32, #tpu.memory_space<hbm>>, %arg5: memref<79x128xi32, #tpu.memory_space<vmem>>, %arg6: memref<128xf32, #tpu.memory_space<vmem>>, %arg7: memref<10240xf32, #tpu.memory_space<vmem_shared>>) attributes {dimension_semantics = [#tpu.dimension_semantics<core_parallel>, #tpu.dimension_semantics<subcore_parallel>], iteration_bounds = array<i64: 2, 16>, scalar_prefetch = 0 : i64, scratch_operands = 3 : i64, tpu.core_type = #tpu.core_type<sc_vector_subcore>, window_params = [{transform_indices = #map}, {transform_indices = #map1}, {transform_indices = #map2}]} {
    %mul3A = arith.constant 16 : i32
    %mul3A_0 = arith.muli %arg0, %mul3A : i32
    %add3A = arith.addi %mul3A_0, %arg1 : i32
    %mul3A_1 = arith.constant 640 : i32
    %mul3A_2 = arith.muli %arg1, %mul3A_1 : i32
    "tpu.region"() ({
      %run_scoped3A = tpu.sem_alloc : memref<!tpu.dma_semaphore, #tpu.memory_space<semaphore_mem>>
      %dma_start3A = tpu.memref_slice %arg7[%mul3A_2] : memref<10240xf32, #tpu.memory_space<vmem_shared>> -> memref<640xf32, #tpu.memory_space<vmem_shared>>
      %dma_start3A_54 = tpu.memref_slice %arg3[%mul3A_2] : memref<10240xf32, #tpu.memory_space<hbm>> -> memref<640xf32, #tpu.memory_space<hbm>>
      tpu.enqueue_dma source(%dma_start3A_54 : memref<640xf32, #tpu.memory_space<hbm>>) target(%dma_start3A : memref<640xf32, #tpu.memory_space<vmem_shared>>) target_semaphore(%run_scoped3A : memref<!tpu.dma_semaphore, #tpu.memory_space<semaphore_mem>>)
      %dma_wait3A = tpu.memref_slice %arg7[%mul3A_2] : memref<10240xf32, #tpu.memory_space<vmem_shared>> -> memref<640xf32, #tpu.memory_space<vmem_shared>>
      %dma_wait3A_55 = tpu.memref_slice %arg3[%mul3A_2] : memref<10240xf32, #tpu.memory_space<hbm>> -> memref<640xf32, #tpu.memory_space<hbm>>
      tpu.wait_dma2 semaphore(%run_scoped3A : memref<!tpu.dma_semaphore, #tpu.memory_space<semaphore_mem>>) src(%dma_wait3A_55 : memref<640xf32, #tpu.memory_space<hbm>>) dst(%dma_wait3A : memref<640xf32, #tpu.memory_space<vmem_shared>>)
      tpu.yield
    }) : () -> ()
    %broadcast_in_dim3A = arith.constant 1.000000e+00 : f32
    %broadcast_in_dim3A_3 = vector.broadcast %broadcast_in_dim3A : f32 to vector<16xf32>
    %swap3A = arith.constant 0 : index
    %swap3A_4 = tpu.vector_load %arg6[%swap3A] {strides = array<i32>} : memref<128xf32, #tpu.memory_space<vmem>>, vector<16xf32>,
    %swap3A_5 = vector.shape_cast %swap3A_4 : vector<16xf32> to vector<16xf32>
    %swap3A_6 = vector.shape_cast %broadcast_in_dim3A_3 : vector<16xf32> to vector<16xf32>
    tpu.vector_store %arg6[%swap3A], %swap3A_6 {strides = array<i32>} : memref<128xf32, #tpu.memory_space<vmem>>, vector<16xf32>,
    %broadcast_in_dim3A_7 = arith.constant 1.000000e+00 : f32
    %broadcast_in_dim3A_8 = vector.broadcast %broadcast_in_dim3A_7 : f32 to vector<16xf32>
    %swap3A_9 = arith.constant 16 : index
    %swap3A_10 = tpu.vector_load %arg6[%swap3A_9] {strides = array<i32>} : memref<128xf32, #tpu.memory_space<vmem>>, vector<16xf32>,
    %swap3A_11 = vector.shape_cast %swap3A_10 : vector<16xf32> to vector<16xf32>
    %swap3A_12 = vector.shape_cast %broadcast_in_dim3A_8 : vector<16xf32> to vector<16xf32>
    tpu.vector_store %arg6[%swap3A_9], %swap3A_12 {strides = array<i32>} : memref<128xf32, #tpu.memory_space<vmem>>, vector<16xf32>,
    %broadcast_in_dim3A_13 = arith.constant 1.000000e+00 : f32
    %broadcast_in_dim3A_14 = vector.broadcast %broadcast_in_dim3A_13 : f32 to vector<16xf32>
    %swap3A_15 = arith.constant 32 : index
    %swap3A_16 = tpu.vector_load %arg6[%swap3A_15] {strides = array<i32>} : memref<128xf32, #tpu.memory_space<vmem>>, vector<16xf32>,
    %swap3A_17 = vector.shape_cast %swap3A_16 : vector<16xf32> to vector<16xf32>
    %swap3A_18 = vector.shape_cast %broadcast_in_dim3A_14 : vector<16xf32> to vector<16xf32>
    tpu.vector_store %arg6[%swap3A_15], %swap3A_18 {strides = array<i32>} : memref<128xf32, #tpu.memory_space<vmem>>, vector<16xf32>,
    %broadcast_in_dim3A_19 = arith.constant 1.000000e+00 : f32
    %broadcast_in_dim3A_20 = vector.broadcast %broadcast_in_dim3A_19 : f32 to vector<16xf32>
    %swap3A_21 = arith.constant 48 : index
    %swap3A_22 = tpu.vector_load %arg6[%swap3A_21] {strides = array<i32>} : memref<128xf32, #tpu.memory_space<vmem>>, vector<16xf32>,
    %swap3A_23 = vector.shape_cast %swap3A_22 : vector<16xf32> to vector<16xf32>
    %swap3A_24 = vector.shape_cast %broadcast_in_dim3A_20 : vector<16xf32> to vector<16xf32>
    tpu.vector_store %arg6[%swap3A_21], %swap3A_24 {strides = array<i32>} : memref<128xf32, #tpu.memory_space<vmem>>, vector<16xf32>,
    %broadcast_in_dim3A_25 = arith.constant 1.000000e+00 : f32
    %broadcast_in_dim3A_26 = vector.broadcast %broadcast_in_dim3A_25 : f32 to vector<16xf32>
    %swap3A_27 = arith.constant 64 : index
    %swap3A_28 = tpu.vector_load %arg6[%swap3A_27] {strides = array<i32>} : memref<128xf32, #tpu.memory_space<vmem>>, vector<16xf32>,
    %swap3A_29 = vector.shape_cast %swap3A_28 : vector<16xf32> to vector<16xf32>
    %swap3A_30 = vector.shape_cast %broadcast_in_dim3A_26 : vector<16xf32> to vector<16xf32>
    tpu.vector_store %arg6[%swap3A_27], %swap3A_30 {strides = array<i32>} : memref<128xf32, #tpu.memory_space<vmem>>, vector<16xf32>,
    %broadcast_in_dim3A_31 = arith.constant 1.000000e+00 : f32
    %broadcast_in_dim3A_32 = vector.broadcast %broadcast_in_dim3A_31 : f32 to vector<16xf32>
    %swap3A_33 = arith.constant 80 : index
    %swap3A_34 = tpu.vector_load %arg6[%swap3A_33] {strides = array<i32>} : memref<128xf32, #tpu.memory_space<vmem>>, vector<16xf32>,
    %swap3A_35 = vector.shape_cast %swap3A_34 : vector<16xf32> to vector<16xf32>
    %swap3A_36 = vector.shape_cast %broadcast_in_dim3A_32 : vector<16xf32> to vector<16xf32>
    tpu.vector_store %arg6[%swap3A_33], %swap3A_36 {strides = array<i32>} : memref<128xf32, #tpu.memory_space<vmem>>, vector<16xf32>,
    %broadcast_in_dim3A_37 = arith.constant 1.000000e+00 : f32
    %broadcast_in_dim3A_38 = vector.broadcast %broadcast_in_dim3A_37 : f32 to vector<16xf32>
    %swap3A_39 = arith.constant 96 : index
    %swap3A_40 = tpu.vector_load %arg6[%swap3A_39] {strides = array<i32>} : memref<128xf32, #tpu.memory_space<vmem>>, vector<16xf32>,
    %swap3A_41 = vector.shape_cast %swap3A_40 : vector<16xf32> to vector<16xf32>
    %swap3A_42 = vector.shape_cast %broadcast_in_dim3A_38 : vector<16xf32> to vector<16xf32>
    tpu.vector_store %arg6[%swap3A_39], %swap3A_42 {strides = array<i32>} : memref<128xf32, #tpu.memory_space<vmem>>, vector<16xf32>,
    %broadcast_in_dim3A_43 = arith.constant 1.000000e+00 : f32
    %broadcast_in_dim3A_44 = vector.broadcast %broadcast_in_dim3A_43 : f32 to vector<16xf32>
    %swap3A_45 = arith.constant 112 : index
    %swap3A_46 = tpu.vector_load %arg6[%swap3A_45] {strides = array<i32>} : memref<128xf32, #tpu.memory_space<vmem>>, vector<16xf32>,
    %swap3A_47 = vector.shape_cast %swap3A_46 : vector<16xf32> to vector<16xf32>
    %swap3A_48 = vector.shape_cast %broadcast_in_dim3A_44 : vector<16xf32> to vector<16xf32>
    tpu.vector_store %arg6[%swap3A_45], %swap3A_48 {strides = array<i32>} : memref<128xf32, #tpu.memory_space<vmem>>, vector<16xf32>,
    "tpu.region"() ({
      %run_scoped3A = tpu.sem_alloc : memref<!tpu.dma_semaphore, #tpu.memory_space<semaphore_mem>>
      %dma_start3A = arith.constant 0 : i32
      %dma_start3A_54 = arith.constant 0 : i32
      %dma_start3A_55 = tpu.memref_slice %arg2[%add3A, %dma_start3A, %dma_start3A_54] : memref<32x79x128xi32, #tpu.memory_space<hbm>> -> memref<1x79x128xi32, #tpu.memory_space<hbm>>
      %dma_start3A_56 = tpu.memref_squeeze %dma_start3A_55 : memref<1x79x128xi32, #tpu.memory_space<hbm>> -> memref<79x128xi32, #tpu.memory_space<hbm>>
      %dma_start3A_57 = arith.constant 0 : i32
      %dma_start3A_58 = arith.constant 0 : i32
      %dma_start3A_59 = tpu.memref_slice %arg2[%add3A, %dma_start3A_57, %dma_start3A_58] : memref<32x79x128xi32, #tpu.memory_space<hbm>> -> memref<1x79x128xi32, #tpu.memory_space<hbm>>
      %dma_start3A_60 = tpu.memref_squeeze %dma_start3A_59 : memref<1x79x128xi32, #tpu.memory_space<hbm>> -> memref<79x128xi32, #tpu.memory_space<hbm>>
      tpu.enqueue_dma source(%dma_start3A_60 : memref<79x128xi32, #tpu.memory_space<hbm>>) target(%arg5 : memref<79x128xi32, #tpu.memory_space<vmem>>) target_semaphore(%run_scoped3A : memref<!tpu.dma_semaphore, #tpu.memory_space<semaphore_mem>>)
      %dma_wait3A = arith.constant 0 : i32
      %dma_wait3A_61 = arith.constant 0 : i32
      %dma_wait3A_62 = tpu.memref_slice %arg2[%add3A, %dma_wait3A, %dma_wait3A_61] : memref<32x79x128xi32, #tpu.memory_space<hbm>> -> memref<1x79x128xi32, #tpu.memory_space<hbm>>
      %dma_wait3A_63 = tpu.memref_squeeze %dma_wait3A_62 : memref<1x79x128xi32, #tpu.memory_space<hbm>> -> memref<79x128xi32, #tpu.memory_space<hbm>>
      %dma_wait3A_64 = arith.constant 0 : i32
      %dma_wait3A_65 = arith.constant 0 : i32
      %dma_wait3A_66 = tpu.memref_slice %arg2[%add3A, %dma_wait3A_64, %dma_wait3A_65] : memref<32x79x128xi32, #tpu.memory_space<hbm>> -> memref<1x79x128xi32, #tpu.memory_space<hbm>>
      %dma_wait3A_67 = tpu.memref_squeeze %dma_wait3A_66 : memref<1x79x128xi32, #tpu.memory_space<hbm>> -> memref<79x128xi32, #tpu.memory_space<hbm>>
      tpu.wait_dma2 semaphore(%run_scoped3A : memref<!tpu.dma_semaphore, #tpu.memory_space<semaphore_mem>>) src(%dma_wait3A_67 : memref<79x128xi32, #tpu.memory_space<hbm>>) dst(%arg5 : memref<79x128xi32, #tpu.memory_space<vmem>>)
      tpu.yield
    }) : () -> ()
    %barrier3A = arith.constant 0 : index
    tpu.barrier barrier_id(%barrier3A)
    %scan3A = arith.constant 0 : i32
    %scan3A_49 = arith.constant 79 : i32
    %scan3A_50 = arith.addi %scan3A, %scan3A_49 : i32
    %scan3A_51 = arith.constant 1 : i32
    scf.for %scan3A_54 = %scan3A to %scan3A_50 step %scan3A_51  : i32 {
      %mul3A_55 = arith.constant 1 : i32
      %mul3A_56 = arith.muli %scan3A_54, %mul3A_55 : i32
      %add3A_57 = arith.constant 0 : i32
      %add3A_58 = arith.addi %add3A_57, %mul3A_56 : i32
      "tpu.region"() ({
        %run_scoped3A = tpu.sem_alloc : memref<!tpu.dma_semaphore, #tpu.memory_space<semaphore_mem>>
        %dma_start3A = arith.constant 0 : i32
        %dma_start3A_59 = tpu.memref_slice %arg5[%add3A_58, %dma_start3A] : memref<79x128xi32, #tpu.memory_space<vmem>> -> memref<1x128xi32, #tpu.memory_space<vmem>>
        %dma_start3A_60 = tpu.memref_squeeze %dma_start3A_59 : memref<1x128xi32, #tpu.memory_space<vmem>> -> memref<128xi32, #tpu.memory_space<vmem>>
        %dma_start3A_61 = arith.constant 0 : i32
        %dma_start3A_62 = tpu.memref_slice %arg7[%dma_start3A_61] : memref<10240xf32, #tpu.memory_space<vmem_shared>> -> memref<10240xf32, #tpu.memory_space<vmem_shared>>
        tpu.enqueue_indirect_dma source(%arg6 : memref<128xf32, #tpu.memory_space<vmem>>) target(%dma_start3A_62 : memref<10240xf32, #tpu.memory_space<vmem_shared>>) offsets(%dma_start3A_60 : memref<128xi32, #tpu.memory_space<vmem>>) semaphore(%run_scoped3A : memref<!tpu.dma_semaphore, #tpu.memory_space<semaphore_mem>>) {add = true}
        %dma_wait3A = arith.constant 0 : i32
        %dma_wait3A_63 = tpu.memref_slice %arg5[%add3A_58, %dma_wait3A] : memref<79x128xi32, #tpu.memory_space<vmem>> -> memref<1x128xi32, #tpu.memory_space<vmem>>
        %dma_wait3A_64 = tpu.memref_squeeze %dma_wait3A_63 : memref<1x128xi32, #tpu.memory_space<vmem>> -> memref<128xi32, #tpu.memory_space<vmem>>
        %dma_wait3A_65 = arith.constant 0 : i32
        %dma_wait3A_66 = tpu.memref_slice %arg7[%dma_wait3A_65] : memref<10240xf32, #tpu.memory_space<vmem_shared>> -> memref<10240xf32, #tpu.memory_space<vmem_shared>>
        tpu.wait_indirect_dma semaphore(%run_scoped3A : memref<!tpu.dma_semaphore, #tpu.memory_space<semaphore_mem>>) src(%arg6 : memref<128xf32, #tpu.memory_space<vmem>>) dst(%dma_wait3A_66 : memref<10240xf32, #tpu.memory_space<vmem_shared>>)
        tpu.yield
      }) : () -> ()
    }
    %scan3A_52 = arith.constant 79 : i32
    %barrier3A_53 = arith.constant 0 : index
    tpu.barrier barrier_id(%barrier3A_53)
    "tpu.region"() ({
      %run_scoped3A = tpu.sem_alloc : memref<!tpu.dma_semaphore, #tpu.memory_space<semaphore_mem>>
      %dma_start3A = tpu.memref_slice %arg4[%arg0, %mul3A_2] : memref<2x10240xf32, #tpu.memory_space<hbm>> -> memref<1x640xf32, #tpu.memory_space<hbm>>
      %dma_start3A_54 = tpu.memref_squeeze %dma_start3A : memref<1x640xf32, #tpu.memory_space<hbm>> -> memref<640xf32, #tpu.memory_space<hbm>>
      %dma_start3A_55 = tpu.memref_slice %arg7[%mul3A_2] : memref<10240xf32, #tpu.memory_space<vmem_shared>> -> memref<640xf32, #tpu.memory_space<vmem_shared>>
      tpu.enqueue_dma source(%dma_start3A_55 : memref<640xf32, #tpu.memory_space<vmem_shared>>) target(%dma_start3A_54 : memref<640xf32, #tpu.memory_space<hbm>>) target_semaphore(%run_scoped3A : memref<!tpu.dma_semaphore, #tpu.memory_space<semaphore_mem>>)
      %dma_wait3A = tpu.memref_slice %arg4[%arg0, %mul3A_2] : memref<2x10240xf32, #tpu.memory_space<hbm>> -> memref<1x640xf32, #tpu.memory_space<hbm>>
      %dma_wait3A_56 = tpu.memref_squeeze %dma_wait3A : memref<1x640xf32, #tpu.memory_space<hbm>> -> memref<640xf32, #tpu.memory_space<hbm>>
      %dma_wait3A_57 = tpu.memref_slice %arg7[%mul3A_2] : memref<10240xf32, #tpu.memory_space<vmem_shared>> -> memref<640xf32, #tpu.memory_space<vmem_shared>>
      tpu.wait_dma2 semaphore(%run_scoped3A : memref<!tpu.dma_semaphore, #tpu.memory_space<semaphore_mem>>) src(%dma_wait3A_57 : memref<640xf32, #tpu.memory_space<vmem_shared>>) dst(%dma_wait3A_56 : memref<640xf32, #tpu.memory_space<hbm>>)
      tpu.yield
    }) : () -> ()
    return
  }
}

#map = affine_map<(d0, d1) -> (0)>
#map1 = affine_map<(d0, d1) -> (0, 0, 0)>
#map2 = affine_map<(d0, d1) -> (0, 0)>
module attributes {stable_mosaic.version = 14 : i64} {
  func.func @_sc_zagg_body(%arg0: i32, %arg1: i32, %arg2: memref<10240xf32, #tpu.memory_space<hbm>>, %arg3: memref<32x79x128xi32, #tpu.memory_space<hbm>>, %arg4: memref<32x79x128xi32, #tpu.memory_space<hbm>>, %arg5: memref<10240xf32, #tpu.memory_space<hbm>>, %arg6: memref<2x10240xf32, #tpu.memory_space<hbm>>, %arg7: memref<79x128xi32, #tpu.memory_space<vmem>>, %arg8: memref<79x128xi32, #tpu.memory_space<vmem>>, %arg9: memref<128xf32, #tpu.memory_space<vmem>>, %arg10: memref<!tpu.dma_semaphore, #tpu.memory_space<semaphore_mem>>, %arg11: memref<10240xf32, #tpu.memory_space<vmem_shared>>) attributes {dimension_semantics = [#tpu.dimension_semantics<core_parallel>, #tpu.dimension_semantics<subcore_parallel>], iteration_bounds = array<i64: 2, 16>, scalar_prefetch = 0 : i64, scratch_operands = 5 : i64, tpu.core_type = #tpu.core_type<sc_vector_subcore>, window_params = [{transform_indices = #map}, {transform_indices = #map1}, {transform_indices = #map1}, {transform_indices = #map}, {transform_indices = #map2}]} {
    %mul3A = arith.constant 16 : i32
    %mul3A_0 = arith.muli %arg0, %mul3A : i32
    %add3A = arith.addi %mul3A_0, %arg1 : i32
    %mul3A_1 = arith.constant 640 : i32
    %mul3A_2 = arith.muli %arg1, %mul3A_1 : i32
    "tpu.region"() ({
      %run_scoped3A = tpu.sem_alloc : memref<!tpu.dma_semaphore, #tpu.memory_space<semaphore_mem>>
      %dma_start3A = tpu.memref_slice %arg11[%mul3A_2] : memref<10240xf32, #tpu.memory_space<vmem_shared>> -> memref<640xf32, #tpu.memory_space<vmem_shared>>
      %dma_start3A_8 = tpu.memref_slice %arg5[%mul3A_2] : memref<10240xf32, #tpu.memory_space<hbm>> -> memref<640xf32, #tpu.memory_space<hbm>>
      tpu.enqueue_dma source(%dma_start3A_8 : memref<640xf32, #tpu.memory_space<hbm>>) target(%dma_start3A : memref<640xf32, #tpu.memory_space<vmem_shared>>) target_semaphore(%run_scoped3A : memref<!tpu.dma_semaphore, #tpu.memory_space<semaphore_mem>>)
      %dma_wait3A = tpu.memref_slice %arg11[%mul3A_2] : memref<10240xf32, #tpu.memory_space<vmem_shared>> -> memref<640xf32, #tpu.memory_space<vmem_shared>>
      %dma_wait3A_9 = tpu.memref_slice %arg5[%mul3A_2] : memref<10240xf32, #tpu.memory_space<hbm>> -> memref<640xf32, #tpu.memory_space<hbm>>
      tpu.wait_dma2 semaphore(%run_scoped3A : memref<!tpu.dma_semaphore, #tpu.memory_space<semaphore_mem>>) src(%dma_wait3A_9 : memref<640xf32, #tpu.memory_space<hbm>>) dst(%dma_wait3A : memref<640xf32, #tpu.memory_space<vmem_shared>>)
      tpu.yield
    }) : () -> ()
    "tpu.region"() ({
      %run_scoped3A = tpu.sem_alloc : memref<!tpu.dma_semaphore, #tpu.memory_space<semaphore_mem>>
      %dma_start3A = arith.constant 0 : i32
      %dma_start3A_8 = arith.constant 0 : i32
      %dma_start3A_9 = tpu.memref_slice %arg3[%add3A, %dma_start3A, %dma_start3A_8] : memref<32x79x128xi32, #tpu.memory_space<hbm>> -> memref<1x79x128xi32, #tpu.memory_space<hbm>>
      %dma_start3A_10 = tpu.memref_squeeze %dma_start3A_9 : memref<1x79x128xi32, #tpu.memory_space<hbm>> -> memref<79x128xi32, #tpu.memory_space<hbm>>
      %dma_start3A_11 = arith.constant 0 : i32
      %dma_start3A_12 = arith.constant 0 : i32
      %dma_start3A_13 = tpu.memref_slice %arg3[%add3A, %dma_start3A_11, %dma_start3A_12] : memref<32x79x128xi32, #tpu.memory_space<hbm>> -> memref<1x79x128xi32, #tpu.memory_space<hbm>>
      %dma_start3A_14 = tpu.memref_squeeze %dma_start3A_13 : memref<1x79x128xi32, #tpu.memory_space<hbm>> -> memref<79x128xi32, #tpu.memory_space<hbm>>
      tpu.enqueue_dma source(%dma_start3A_14 : memref<79x128xi32, #tpu.memory_space<hbm>>) target(%arg7 : memref<79x128xi32, #tpu.memory_space<vmem>>) target_semaphore(%run_scoped3A : memref<!tpu.dma_semaphore, #tpu.memory_space<semaphore_mem>>)
      %dma_wait3A = arith.constant 0 : i32
      %dma_wait3A_15 = arith.constant 0 : i32
      %dma_wait3A_16 = tpu.memref_slice %arg3[%add3A, %dma_wait3A, %dma_wait3A_15] : memref<32x79x128xi32, #tpu.memory_space<hbm>> -> memref<1x79x128xi32, #tpu.memory_space<hbm>>
      %dma_wait3A_17 = tpu.memref_squeeze %dma_wait3A_16 : memref<1x79x128xi32, #tpu.memory_space<hbm>> -> memref<79x128xi32, #tpu.memory_space<hbm>>
      %dma_wait3A_18 = arith.constant 0 : i32
      %dma_wait3A_19 = arith.constant 0 : i32
      %dma_wait3A_20 = tpu.memref_slice %arg3[%add3A, %dma_wait3A_18, %dma_wait3A_19] : memref<32x79x128xi32, #tpu.memory_space<hbm>> -> memref<1x79x128xi32, #tpu.memory_space<hbm>>
      %dma_wait3A_21 = tpu.memref_squeeze %dma_wait3A_20 : memref<1x79x128xi32, #tpu.memory_space<hbm>> -> memref<79x128xi32, #tpu.memory_space<hbm>>
      tpu.wait_dma2 semaphore(%run_scoped3A : memref<!tpu.dma_semaphore, #tpu.memory_space<semaphore_mem>>) src(%dma_wait3A_21 : memref<79x128xi32, #tpu.memory_space<hbm>>) dst(%arg7 : memref<79x128xi32, #tpu.memory_space<vmem>>)
      tpu.yield
    }) : () -> ()
    "tpu.region"() ({
      %run_scoped3A = tpu.sem_alloc : memref<!tpu.dma_semaphore, #tpu.memory_space<semaphore_mem>>
      %dma_start3A = arith.constant 0 : i32
      %dma_start3A_8 = arith.constant 0 : i32
      %dma_start3A_9 = tpu.memref_slice %arg4[%add3A, %dma_start3A, %dma_start3A_8] : memref<32x79x128xi32, #tpu.memory_space<hbm>> -> memref<1x79x128xi32, #tpu.memory_space<hbm>>
      %dma_start3A_10 = tpu.memref_squeeze %dma_start3A_9 : memref<1x79x128xi32, #tpu.memory_space<hbm>> -> memref<79x128xi32, #tpu.memory_space<hbm>>
      %dma_start3A_11 = arith.constant 0 : i32
      %dma_start3A_12 = arith.constant 0 : i32
      %dma_start3A_13 = tpu.memref_slice %arg4[%add3A, %dma_start3A_11, %dma_start3A_12] : memref<32x79x128xi32, #tpu.memory_space<hbm>> -> memref<1x79x128xi32, #tpu.memory_space<hbm>>
      %dma_start3A_14 = tpu.memref_squeeze %dma_start3A_13 : memref<1x79x128xi32, #tpu.memory_space<hbm>> -> memref<79x128xi32, #tpu.memory_space<hbm>>
      tpu.enqueue_dma source(%dma_start3A_14 : memref<79x128xi32, #tpu.memory_space<hbm>>) target(%arg8 : memref<79x128xi32, #tpu.memory_space<vmem>>) target_semaphore(%run_scoped3A : memref<!tpu.dma_semaphore, #tpu.memory_space<semaphore_mem>>)
      %dma_wait3A = arith.constant 0 : i32
      %dma_wait3A_15 = arith.constant 0 : i32
      %dma_wait3A_16 = tpu.memref_slice %arg4[%add3A, %dma_wait3A, %dma_wait3A_15] : memref<32x79x128xi32, #tpu.memory_space<hbm>> -> memref<1x79x128xi32, #tpu.memory_space<hbm>>
      %dma_wait3A_17 = tpu.memref_squeeze %dma_wait3A_16 : memref<1x79x128xi32, #tpu.memory_space<hbm>> -> memref<79x128xi32, #tpu.memory_space<hbm>>
      %dma_wait3A_18 = arith.constant 0 : i32
      %dma_wait3A_19 = arith.constant 0 : i32
      %dma_wait3A_20 = tpu.memref_slice %arg4[%add3A, %dma_wait3A_18, %dma_wait3A_19] : memref<32x79x128xi32, #tpu.memory_space<hbm>> -> memref<1x79x128xi32, #tpu.memory_space<hbm>>
      %dma_wait3A_21 = tpu.memref_squeeze %dma_wait3A_20 : memref<1x79x128xi32, #tpu.memory_space<hbm>> -> memref<79x128xi32, #tpu.memory_space<hbm>>
      tpu.wait_dma2 semaphore(%run_scoped3A : memref<!tpu.dma_semaphore, #tpu.memory_space<semaphore_mem>>) src(%dma_wait3A_21 : memref<79x128xi32, #tpu.memory_space<hbm>>) dst(%arg8 : memref<79x128xi32, #tpu.memory_space<vmem>>)
      tpu.yield
    }) : () -> ()
    %barrier3A = arith.constant 0 : index
    tpu.barrier barrier_id(%barrier3A)
    %scan3A = arith.constant 0 : i32
    %scan3A_3 = arith.constant 79 : i32
    %scan3A_4 = arith.addi %scan3A, %scan3A_3 : i32
    %scan3A_5 = arith.constant 1 : i32
    scf.for %scan3A_8 = %scan3A to %scan3A_4 step %scan3A_5  : i32 {
      %mul3A_9 = arith.constant 1 : i32
      %mul3A_10 = arith.muli %scan3A_8, %mul3A_9 : i32
      %add3A_11 = arith.constant 0 : i32
      %add3A_12 = arith.addi %add3A_11, %mul3A_10 : i32
      %dma_start3A = arith.constant 0 : i32
      %dma_start3A_13 = tpu.memref_slice %arg7[%add3A_12, %dma_start3A] : memref<79x128xi32, #tpu.memory_space<vmem>> -> memref<1x128xi32, #tpu.memory_space<vmem>>
      %dma_start3A_14 = tpu.memref_squeeze %dma_start3A_13 : memref<1x128xi32, #tpu.memory_space<vmem>> -> memref<128xi32, #tpu.memory_space<vmem>>
      %dma_start3A_15 = arith.constant 0 : i32
      %dma_start3A_16 = tpu.memref_slice %arg2[%dma_start3A_15] : memref<10240xf32, #tpu.memory_space<hbm>> -> memref<10240xf32, #tpu.memory_space<hbm>>
      tpu.enqueue_indirect_dma source(%dma_start3A_16 : memref<10240xf32, #tpu.memory_space<hbm>>) target(%arg9 : memref<128xf32, #tpu.memory_space<vmem>>) offsets(%dma_start3A_14 : memref<128xi32, #tpu.memory_space<vmem>>) semaphore(%arg10 : memref<!tpu.dma_semaphore, #tpu.memory_space<semaphore_mem>>)
      %dma_wait3A = arith.constant 0 : i32
      %dma_wait3A_17 = tpu.memref_slice %arg7[%add3A_12, %dma_wait3A] : memref<79x128xi32, #tpu.memory_space<vmem>> -> memref<1x128xi32, #tpu.memory_space<vmem>>
      %dma_wait3A_18 = tpu.memref_squeeze %dma_wait3A_17 : memref<1x128xi32, #tpu.memory_space<vmem>> -> memref<128xi32, #tpu.memory_space<vmem>>
      %dma_wait3A_19 = arith.constant 0 : i32
      %dma_wait3A_20 = tpu.memref_slice %arg2[%dma_wait3A_19] : memref<10240xf32, #tpu.memory_space<hbm>> -> memref<10240xf32, #tpu.memory_space<hbm>>
      tpu.wait_indirect_dma semaphore(%arg10 : memref<!tpu.dma_semaphore, #tpu.memory_space<semaphore_mem>>) src(%dma_wait3A_20 : memref<10240xf32, #tpu.memory_space<hbm>>) dst(%arg9 : memref<128xf32, #tpu.memory_space<vmem>>)
      "tpu.region"() ({
        %run_scoped3A = tpu.sem_alloc : memref<!tpu.dma_semaphore, #tpu.memory_space<semaphore_mem>>
        %dma_start3A_21 = arith.constant 0 : i32
        %dma_start3A_22 = tpu.memref_slice %arg8[%add3A_12, %dma_start3A_21] : memref<79x128xi32, #tpu.memory_space<vmem>> -> memref<1x128xi32, #tpu.memory_space<vmem>>
        %dma_start3A_23 = tpu.memref_squeeze %dma_start3A_22 : memref<1x128xi32, #tpu.memory_space<vmem>> -> memref<128xi32, #tpu.memory_space<vmem>>
        %dma_start3A_24 = arith.constant 0 : i32
        %dma_start3A_25 = tpu.memref_slice %arg11[%dma_start3A_24] : memref<10240xf32, #tpu.memory_space<vmem_shared>> -> memref<10240xf32, #tpu.memory_space<vmem_shared>>
        tpu.enqueue_indirect_dma source(%arg9 : memref<128xf32, #tpu.memory_space<vmem>>) target(%dma_start3A_25 : memref<10240xf32, #tpu.memory_space<vmem_shared>>) offsets(%dma_start3A_23 : memref<128xi32, #tpu.memory_space<vmem>>) semaphore(%run_scoped3A : memref<!tpu.dma_semaphore, #tpu.memory_space<semaphore_mem>>) {add = true}
        %dma_wait3A_26 = arith.constant 0 : i32
        %dma_wait3A_27 = tpu.memref_slice %arg8[%add3A_12, %dma_wait3A_26] : memref<79x128xi32, #tpu.memory_space<vmem>> -> memref<1x128xi32, #tpu.memory_space<vmem>>
        %dma_wait3A_28 = tpu.memref_squeeze %dma_wait3A_27 : memref<1x128xi32, #tpu.memory_space<vmem>> -> memref<128xi32, #tpu.memory_space<vmem>>
        %dma_wait3A_29 = arith.constant 0 : i32
        %dma_wait3A_30 = tpu.memref_slice %arg11[%dma_wait3A_29] : memref<10240xf32, #tpu.memory_space<vmem_shared>> -> memref<10240xf32, #tpu.memory_space<vmem_shared>>
        tpu.wait_indirect_dma semaphore(%run_scoped3A : memref<!tpu.dma_semaphore, #tpu.memory_space<semaphore_mem>>) src(%arg9 : memref<128xf32, #tpu.memory_space<vmem>>) dst(%dma_wait3A_30 : memref<10240xf32, #tpu.memory_space<vmem_shared>>)
        tpu.yield
      }) : () -> ()
    }
    %scan3A_6 = arith.constant 79 : i32
    %barrier3A_7 = arith.constant 0 : index
    tpu.barrier barrier_id(%barrier3A_7)
    "tpu.region"() ({
      %run_scoped3A = tpu.sem_alloc : memref<!tpu.dma_semaphore, #tpu.memory_space<semaphore_mem>>
      %dma_start3A = tpu.memref_slice %arg6[%arg0, %mul3A_2] : memref<2x10240xf32, #tpu.memory_space<hbm>> -> memref<1x640xf32, #tpu.memory_space<hbm>>
      %dma_start3A_8 = tpu.memref_squeeze %dma_start3A : memref<1x640xf32, #tpu.memory_space<hbm>> -> memref<640xf32, #tpu.memory_space<hbm>>
      %dma_start3A_9 = tpu.memref_slice %arg11[%mul3A_2] : memref<10240xf32, #tpu.memory_space<vmem_shared>> -> memref<640xf32, #tpu.memory_space<vmem_shared>>
      tpu.enqueue_dma source(%dma_start3A_9 : memref<640xf32, #tpu.memory_space<vmem_shared>>) target(%dma_start3A_8 : memref<640xf32, #tpu.memory_space<hbm>>) target_semaphore(%run_scoped3A : memref<!tpu.dma_semaphore, #tpu.memory_space<semaphore_mem>>)
      %dma_wait3A = tpu.memref_slice %arg6[%arg0, %mul3A_2] : memref<2x10240xf32, #tpu.memory_space<hbm>> -> memref<1x640xf32, #tpu.memory_space<hbm>>
      %dma_wait3A_10 = tpu.memref_squeeze %dma_wait3A : memref<1x640xf32, #tpu.memory_space<hbm>> -> memref<640xf32, #tpu.memory_space<hbm>>
      %dma_wait3A_11 = tpu.memref_slice %arg11[%mul3A_2] : memref<10240xf32, #tpu.memory_space<vmem_shared>> -> memref<640xf32, #tpu.memory_space<vmem_shared>>
      tpu.wait_dma2 semaphore(%run_scoped3A : memref<!tpu.dma_semaphore, #tpu.memory_space<semaphore_mem>>) src(%dma_wait3A_11 : memref<640xf32, #tpu.memory_space<vmem_shared>>) dst(%dma_wait3A_10 : memref<640xf32, #tpu.memory_space<hbm>>)
      tpu.yield
    }) : () -> ()
    return
  }
}

#map = affine_map<(d0, d1) -> (0, 0)>
#map1 = affine_map<(d0, d1) -> (0, 0, 0)>
module attributes {stable_mosaic.version = 14 : i64} {
  func.func @_sc_agg_body(%arg0: i32, %arg1: i32, %arg2: memref<10240x128xf32, #tpu.memory_space<hbm>>, %arg3: memref<32x79x128xi32, #tpu.memory_space<hbm>>, %arg4: memref<32x79x128xi32, #tpu.memory_space<hbm>>, %arg5: memref<10240x128xf32, #tpu.memory_space<hbm>>, %arg6: memref<2x10240x128xf32, #tpu.memory_space<hbm>>, %arg7: memref<79x128xi32, #tpu.memory_space<vmem>>, %arg8: memref<79x128xi32, #tpu.memory_space<vmem>>, %arg9: memref<128x128xf32, #tpu.memory_space<vmem>>, %arg10: memref<!tpu.dma_semaphore, #tpu.memory_space<semaphore_mem>>, %arg11: memref<!tpu.dma_semaphore, #tpu.memory_space<semaphore_mem>>, %arg12: memref<!tpu.dma_semaphore, #tpu.memory_space<semaphore_mem>>, %arg13: memref<10240x128xf32, #tpu.memory_space<vmem_shared>>) attributes {dimension_semantics = [#tpu.dimension_semantics<core_parallel>, #tpu.dimension_semantics<subcore_parallel>], iteration_bounds = array<i64: 2, 16>, scalar_prefetch = 0 : i64, scratch_operands = 7 : i64, tpu.core_type = #tpu.core_type<sc_vector_subcore>, window_params = [{transform_indices = #map}, {transform_indices = #map1}, {transform_indices = #map1}, {transform_indices = #map}, {transform_indices = #map1}]} {
    %mul3A = arith.constant 16 : i32
    %mul3A_0 = arith.muli %arg0, %mul3A : i32
    %add3A = arith.addi %mul3A_0, %arg1 : i32
    %mul3A_1 = arith.constant 640 : i32
    %mul3A_2 = arith.muli %arg1, %mul3A_1 : i32
    "tpu.region"() ({
      %run_scoped3A = tpu.sem_alloc : memref<!tpu.dma_semaphore, #tpu.memory_space<semaphore_mem>>
      %dma_start3A = arith.constant 0 : i32
      %dma_start3A_8 = tpu.memref_slice %arg13[%mul3A_2, %dma_start3A] : memref<10240x128xf32, #tpu.memory_space<vmem_shared>> -> memref<640x128xf32, #tpu.memory_space<vmem_shared>>
      %dma_start3A_9 = arith.constant 0 : i32
      %dma_start3A_10 = tpu.memref_slice %arg5[%mul3A_2, %dma_start3A_9] : memref<10240x128xf32, #tpu.memory_space<hbm>> -> memref<640x128xf32, #tpu.memory_space<hbm>>
      tpu.enqueue_dma source(%dma_start3A_10 : memref<640x128xf32, #tpu.memory_space<hbm>>) target(%dma_start3A_8 : memref<640x128xf32, #tpu.memory_space<vmem_shared>>) target_semaphore(%run_scoped3A : memref<!tpu.dma_semaphore, #tpu.memory_space<semaphore_mem>>)
      %dma_wait3A = arith.constant 0 : i32
      %dma_wait3A_11 = tpu.memref_slice %arg13[%mul3A_2, %dma_wait3A] : memref<10240x128xf32, #tpu.memory_space<vmem_shared>> -> memref<640x128xf32, #tpu.memory_space<vmem_shared>>
      %dma_wait3A_12 = arith.constant 0 : i32
      %dma_wait3A_13 = tpu.memref_slice %arg5[%mul3A_2, %dma_wait3A_12] : memref<10240x128xf32, #tpu.memory_space<hbm>> -> memref<640x128xf32, #tpu.memory_space<hbm>>
      tpu.wait_dma2 semaphore(%run_scoped3A : memref<!tpu.dma_semaphore, #tpu.memory_space<semaphore_mem>>) src(%dma_wait3A_13 : memref<640x128xf32, #tpu.memory_space<hbm>>) dst(%dma_wait3A_11 : memref<640x128xf32, #tpu.memory_space<vmem_shared>>)
      tpu.yield
    }) : () -> ()
    %barrier3A = arith.constant 0 : index
    tpu.barrier barrier_id(%barrier3A)
    "tpu.region"() ({
      %run_scoped3A = tpu.sem_alloc : memref<!tpu.dma_semaphore, #tpu.memory_space<semaphore_mem>>
      %dma_start3A = arith.constant 0 : i32
      %dma_start3A_8 = arith.constant 0 : i32
      %dma_start3A_9 = tpu.memref_slice %arg3[%add3A, %dma_start3A, %dma_start3A_8] : memref<32x79x128xi32, #tpu.memory_space<hbm>> -> memref<1x79x128xi32, #tpu.memory_space<hbm>>
      %dma_start3A_10 = tpu.memref_squeeze %dma_start3A_9 : memref<1x79x128xi32, #tpu.memory_space<hbm>> -> memref<79x128xi32, #tpu.memory_space<hbm>>
      %dma_start3A_11 = arith.constant 0 : i32
      %dma_start3A_12 = arith.constant 0 : i32
      %dma_start3A_13 = tpu.memref_slice %arg3[%add3A, %dma_start3A_11, %dma_start3A_12] : memref<32x79x128xi32, #tpu.memory_space<hbm>> -> memref<1x79x128xi32, #tpu.memory_space<hbm>>
      %dma_start3A_14 = tpu.memref_squeeze %dma_start3A_13 : memref<1x79x128xi32, #tpu.memory_space<hbm>> -> memref<79x128xi32, #tpu.memory_space<hbm>>
      tpu.enqueue_dma source(%dma_start3A_14 : memref<79x128xi32, #tpu.memory_space<hbm>>) target(%arg7 : memref<79x128xi32, #tpu.memory_space<vmem>>) target_semaphore(%run_scoped3A : memref<!tpu.dma_semaphore, #tpu.memory_space<semaphore_mem>>)
      %dma_wait3A = arith.constant 0 : i32
      %dma_wait3A_15 = arith.constant 0 : i32
      %dma_wait3A_16 = tpu.memref_slice %arg3[%add3A, %dma_wait3A, %dma_wait3A_15] : memref<32x79x128xi32, #tpu.memory_space<hbm>> -> memref<1x79x128xi32, #tpu.memory_space<hbm>>
      %dma_wait3A_17 = tpu.memref_squeeze %dma_wait3A_16 : memref<1x79x128xi32, #tpu.memory_space<hbm>> -> memref<79x128xi32, #tpu.memory_space<hbm>>
      %dma_wait3A_18 = arith.constant 0 : i32
      %dma_wait3A_19 = arith.constant 0 : i32
      %dma_wait3A_20 = tpu.memref_slice %arg3[%add3A, %dma_wait3A_18, %dma_wait3A_19] : memref<32x79x128xi32, #tpu.memory_space<hbm>> -> memref<1x79x128xi32, #tpu.memory_space<hbm>>
      %dma_wait3A_21 = tpu.memref_squeeze %dma_wait3A_20 : memref<1x79x128xi32, #tpu.memory_space<hbm>> -> memref<79x128xi32, #tpu.memory_space<hbm>>
      tpu.wait_dma2 semaphore(%run_scoped3A : memref<!tpu.dma_semaphore, #tpu.memory_space<semaphore_mem>>) src(%dma_wait3A_21 : memref<79x128xi32, #tpu.memory_space<hbm>>) dst(%arg7 : memref<79x128xi32, #tpu.memory_space<vmem>>)
      tpu.yield
    }) : () -> ()
    "tpu.region"() ({
      %run_scoped3A = tpu.sem_alloc : memref<!tpu.dma_semaphore, #tpu.memory_space<semaphore_mem>>
      %dma_start3A = arith.constant 0 : i32
      %dma_start3A_8 = arith.constant 0 : i32
      %dma_start3A_9 = tpu.memref_slice %arg4[%add3A, %dma_start3A, %dma_start3A_8] : memref<32x79x128xi32, #tpu.memory_space<hbm>> -> memref<1x79x128xi32, #tpu.memory_space<hbm>>
      %dma_start3A_10 = tpu.memref_squeeze %dma_start3A_9 : memref<1x79x128xi32, #tpu.memory_space<hbm>> -> memref<79x128xi32, #tpu.memory_space<hbm>>
      %dma_start3A_11 = arith.constant 0 : i32
      %dma_start3A_12 = arith.constant 0 : i32
      %dma_start3A_13 = tpu.memref_slice %arg4[%add3A, %dma_start3A_11, %dma_start3A_12] : memref<32x79x128xi32, #tpu.memory_space<hbm>> -> memref<1x79x128xi32, #tpu.memory_space<hbm>>
      %dma_start3A_14 = tpu.memref_squeeze %dma_start3A_13 : memref<1x79x128xi32, #tpu.memory_space<hbm>> -> memref<79x128xi32, #tpu.memory_space<hbm>>
      tpu.enqueue_dma source(%dma_start3A_14 : memref<79x128xi32, #tpu.memory_space<hbm>>) target(%arg8 : memref<79x128xi32, #tpu.memory_space<vmem>>) target_semaphore(%run_scoped3A : memref<!tpu.dma_semaphore, #tpu.memory_space<semaphore_mem>>)
      %dma_wait3A = arith.constant 0 : i32
      %dma_wait3A_15 = arith.constant 0 : i32
      %dma_wait3A_16 = tpu.memref_slice %arg4[%add3A, %dma_wait3A, %dma_wait3A_15] : memref<32x79x128xi32, #tpu.memory_space<hbm>> -> memref<1x79x128xi32, #tpu.memory_space<hbm>>
      %dma_wait3A_17 = tpu.memref_squeeze %dma_wait3A_16 : memref<1x79x128xi32, #tpu.memory_space<hbm>> -> memref<79x128xi32, #tpu.memory_space<hbm>>
      %dma_wait3A_18 = arith.constant 0 : i32
      %dma_wait3A_19 = arith.constant 0 : i32
      %dma_wait3A_20 = tpu.memref_slice %arg4[%add3A, %dma_wait3A_18, %dma_wait3A_19] : memref<32x79x128xi32, #tpu.memory_space<hbm>> -> memref<1x79x128xi32, #tpu.memory_space<hbm>>
      %dma_wait3A_21 = tpu.memref_squeeze %dma_wait3A_20 : memref<1x79x128xi32, #tpu.memory_space<hbm>> -> memref<79x128xi32, #tpu.memory_space<hbm>>
      tpu.wait_dma2 semaphore(%run_scoped3A : memref<!tpu.dma_semaphore, #tpu.memory_space<semaphore_mem>>) src(%dma_wait3A_21 : memref<79x128xi32, #tpu.memory_space<hbm>>) dst(%arg8 : memref<79x128xi32, #tpu.memory_space<vmem>>)
      tpu.yield
    }) : () -> ()
    %scan3A = arith.constant 0 : i32
    %scan3A_3 = arith.constant 79 : i32
    %scan3A_4 = arith.addi %scan3A, %scan3A_3 : i32
    %scan3A_5 = arith.constant 1 : i32
    scf.for %scan3A_8 = %scan3A to %scan3A_4 step %scan3A_5  : i32 {
      %mul3A_9 = arith.constant 1 : i32
      %mul3A_10 = arith.muli %scan3A_8, %mul3A_9 : i32
      %add3A_11 = arith.constant 0 : i32
      %add3A_12 = arith.addi %add3A_11, %mul3A_10 : i32
      %dma_start3A = arith.constant 0 : i32
      %dma_start3A_13 = tpu.memref_slice %arg7[%add3A_12, %dma_start3A] : memref<79x128xi32, #tpu.memory_space<vmem>> -> memref<1x128xi32, #tpu.memory_space<vmem>>
      %dma_start3A_14 = tpu.memref_squeeze %dma_start3A_13 : memref<1x128xi32, #tpu.memory_space<vmem>> -> memref<128xi32, #tpu.memory_space<vmem>>
      %dma_start3A_15 = arith.constant 0 : i32
      %dma_start3A_16 = arith.constant 0 : i32
      %dma_start3A_17 = tpu.memref_slice %arg2[%dma_start3A_15, %dma_start3A_16] : memref<10240x128xf32, #tpu.memory_space<hbm>> -> memref<10240x128xf32, #tpu.memory_space<hbm>>
      tpu.enqueue_indirect_dma source(%dma_start3A_17 : memref<10240x128xf32, #tpu.memory_space<hbm>>) target(%arg9 : memref<128x128xf32, #tpu.memory_space<vmem>>) offsets(%dma_start3A_14 : memref<128xi32, #tpu.memory_space<vmem>>) semaphore(%arg11 : memref<!tpu.dma_semaphore, #tpu.memory_space<semaphore_mem>>)
      %dma_wait3A = arith.constant 0 : i32
      %dma_wait3A_18 = tpu.memref_slice %arg7[%add3A_12, %dma_wait3A] : memref<79x128xi32, #tpu.memory_space<vmem>> -> memref<1x128xi32, #tpu.memory_space<vmem>>
      %dma_wait3A_19 = tpu.memref_squeeze %dma_wait3A_18 : memref<1x128xi32, #tpu.memory_space<vmem>> -> memref<128xi32, #tpu.memory_space<vmem>>
      %dma_wait3A_20 = arith.constant 0 : i32
      %dma_wait3A_21 = arith.constant 0 : i32
      %dma_wait3A_22 = tpu.memref_slice %arg2[%dma_wait3A_20, %dma_wait3A_21] : memref<10240x128xf32, #tpu.memory_space<hbm>> -> memref<10240x128xf32, #tpu.memory_space<hbm>>
      tpu.wait_indirect_dma semaphore(%arg11 : memref<!tpu.dma_semaphore, #tpu.memory_space<semaphore_mem>>) src(%dma_wait3A_22 : memref<10240x128xf32, #tpu.memory_space<hbm>>) dst(%arg9 : memref<128x128xf32, #tpu.memory_space<vmem>>)
      "tpu.region"() ({
        %run_scoped3A = tpu.sem_alloc : memref<!tpu.dma_semaphore, #tpu.memory_space<semaphore_mem>>
        %dma_start3A_23 = arith.constant 0 : i32
        %dma_start3A_24 = tpu.memref_slice %arg8[%add3A_12, %dma_start3A_23] : memref<79x128xi32, #tpu.memory_space<vmem>> -> memref<1x128xi32, #tpu.memory_space<vmem>>
        %dma_start3A_25 = tpu.memref_squeeze %dma_start3A_24 : memref<1x128xi32, #tpu.memory_space<vmem>> -> memref<128xi32, #tpu.memory_space<vmem>>
        %dma_start3A_26 = arith.constant 0 : i32
        %dma_start3A_27 = arith.constant 0 : i32
        %dma_start3A_28 = tpu.memref_slice %arg13[%dma_start3A_26, %dma_start3A_27] : memref<10240x128xf32, #tpu.memory_space<vmem_shared>> -> memref<10240x128xf32, #tpu.memory_space<vmem_shared>>
        tpu.enqueue_indirect_dma source(%arg9 : memref<128x128xf32, #tpu.memory_space<vmem>>) target(%dma_start3A_28 : memref<10240x128xf32, #tpu.memory_space<vmem_shared>>) offsets(%dma_start3A_25 : memref<128xi32, #tpu.memory_space<vmem>>) semaphore(%run_scoped3A : memref<!tpu.dma_semaphore, #tpu.memory_space<semaphore_mem>>) {add = true}
        %dma_wait3A_29 = arith.constant 0 : i32
        %dma_wait3A_30 = tpu.memref_slice %arg8[%add3A_12, %dma_wait3A_29] : memref<79x128xi32, #tpu.memory_space<vmem>> -> memref<1x128xi32, #tpu.memory_space<vmem>>
        %dma_wait3A_31 = tpu.memref_squeeze %dma_wait3A_30 : memref<1x128xi32, #tpu.memory_space<vmem>> -> memref<128xi32, #tpu.memory_space<vmem>>
        %dma_wait3A_32 = arith.constant 0 : i32
        %dma_wait3A_33 = arith.constant 0 : i32
        %dma_wait3A_34 = tpu.memref_slice %arg13[%dma_wait3A_32, %dma_wait3A_33] : memref<10240x128xf32, #tpu.memory_space<vmem_shared>> -> memref<10240x128xf32, #tpu.memory_space<vmem_shared>>
        tpu.wait_indirect_dma semaphore(%run_scoped3A : memref<!tpu.dma_semaphore, #tpu.memory_space<semaphore_mem>>) src(%arg9 : memref<128x128xf32, #tpu.memory_space<vmem>>) dst(%dma_wait3A_34 : memref<10240x128xf32, #tpu.memory_space<vmem_shared>>)
        tpu.yield
      }) : () -> ()
    }
    %scan3A_6 = arith.constant 79 : i32
    %barrier3A_7 = arith.constant 0 : index
    tpu.barrier barrier_id(%barrier3A_7)
    "tpu.region"() ({
      %run_scoped3A = tpu.sem_alloc : memref<!tpu.dma_semaphore, #tpu.memory_space<semaphore_mem>>
      %dma_start3A = arith.constant 0 : i32
      %dma_start3A_8 = tpu.memref_slice %arg6[%arg0, %mul3A_2, %dma_start3A] : memref<2x10240x128xf32, #tpu.memory_space<hbm>> -> memref<1x640x128xf32, #tpu.memory_space<hbm>>
      %dma_start3A_9 = tpu.memref_squeeze %dma_start3A_8 : memref<1x640x128xf32, #tpu.memory_space<hbm>> -> memref<640x128xf32, #tpu.memory_space<hbm>>
      %dma_start3A_10 = arith.constant 0 : i32
      %dma_start3A_11 = tpu.memref_slice %arg13[%mul3A_2, %dma_start3A_10] : memref<10240x128xf32, #tpu.memory_space<vmem_shared>> -> memref<640x128xf32, #tpu.memory_space<vmem_shared>>
      tpu.enqueue_dma source(%dma_start3A_11 : memref<640x128xf32, #tpu.memory_space<vmem_shared>>) target(%dma_start3A_9 : memref<640x128xf32, #tpu.memory_space<hbm>>) target_semaphore(%run_scoped3A : memref<!tpu.dma_semaphore, #tpu.memory_space<semaphore_mem>>)
      %dma_wait3A = arith.constant 0 : i32
      %dma_wait3A_12 = tpu.memref_slice %arg6[%arg0, %mul3A_2, %dma_wait3A] : memref<2x10240x128xf32, #tpu.memory_space<hbm>> -> memref<1x640x128xf32, #tpu.memory_space<hbm>>
      %dma_wait3A_13 = tpu.memref_squeeze %dma_wait3A_12 : memref<1x640x128xf32, #tpu.memory_space<hbm>> -> memref<640x128xf32, #tpu.memory_space<hbm>>
      %dma_wait3A_14 = arith.constant 0 : i32
      %dma_wait3A_15 = tpu.memref_slice %arg13[%mul3A_2, %dma_wait3A_14] : memref<10240x128xf32, #tpu.memory_space<vmem_shared>> -> memref<640x128xf32, #tpu.memory_space<vmem_shared>>
      tpu.wait_dma2 semaphore(%run_scoped3A : memref<!tpu.dma_semaphore, #tpu.memory_space<semaphore_mem>>) src(%dma_wait3A_15 : memref<640x128xf32, #tpu.memory_space<vmem_shared>>) dst(%dma_wait3A_13 : memref<640x128xf32, #tpu.memory_space<hbm>>)
      tpu.yield
    }) : () -> ()
    return
  }
}

module attributes {stable_mosaic.version = 14 : i64} {
  func.func @_t1_body(%arg0: i32, %arg1: memref<256x128xf32, #tpu.memory_space<vmem>>, %arg2: memref<128x128xf32, #tpu.memory_space<vmem>>, %arg3: memref<2x256xf32, #tpu.memory_space<vmem>>, %arg4: memref<256x1xf32, #tpu.memory_space<vmem>>, %arg5: memref<256x128xf32, #tpu.memory_space<vmem>>) attributes {dimension_semantics = [#tpu.dimension_semantics<arbitrary>], iteration_bounds = array<i64: 40>, scalar_prefetch = 0 : i64, scratch_operands = 0 : i64, tpu.core_type = #tpu.core_type<tc>, window_params = [{transform_indices = @transform_0, window_bounds = array<i64: 256, 128>}, {pipeline_mode = #tpu.pipeline_mode<synchronous>, transform_indices = @transform_1, window_bounds = array<i64: 128, 128>}, {transform_indices = @transform_2, window_bounds = array<i64: 2, 256>}, {transform_indices = @transform_3, window_bounds = array<i64: 256, 1>}, {transform_indices = @transform_4, window_bounds = array<i64: 256, 128>}]} {
    %get3A = arith.constant 0 : index
    %get3A_0 = arith.constant 0 : index
    %get3A_1 = vector.load %arg3[%get3A, %get3A_0] : memref<2x256xf32, #tpu.memory_space<vmem>>, vector<2x256xf32>
    %slice3A = vector.extract_strided_slice %get3A_1 {offsets = [0, 0], sizes = [1, 256], strides = [1, 1]} : vector<2x256xf32> to vector<1x256xf32>
    %squeeze3A = vector.shape_cast %slice3A : vector<1x256xf32> to vector<256xf32>
    %get3A_2 = arith.constant 0 : index
    %get3A_3 = arith.constant 0 : index
    %get3A_4 = vector.load %arg3[%get3A_2, %get3A_3] : memref<2x256xf32, #tpu.memory_space<vmem>>, vector<2x256xf32>
    %slice3A_5 = vector.extract_strided_slice %get3A_4 {offsets = [1, 0], sizes = [1, 256], strides = [1, 1]} : vector<2x256xf32> to vector<1x256xf32>
    %squeeze3A_6 = vector.shape_cast %slice3A_5 : vector<1x256xf32> to vector<256xf32>
    %add3A = arith.addf %squeeze3A, %squeeze3A_6 : vector<256xf32>
    %add3A_7 = arith.constant 1.000000e+00 : f32
    %add3A_8 = vector.broadcast %add3A_7 : f32 to vector<256xf32>
    %add3A_9 = arith.addf %add3A, %add3A_8 : vector<256xf32>
    %sqrt3A = math.sqrt %add3A_9 : vector<256xf32>
    %div3A = arith.constant 1.000000e+00 : f32
    %div3A_10 = vector.broadcast %div3A : f32 to vector<256xf32>
    %div3A_11 = arith.divf %div3A_10, %sqrt3A : vector<256xf32>
    %broadcast_in_dim3A = vector.shape_cast %div3A_11 : vector<256xf32> to vector<256x1xf32>
    %get3A_12 = arith.constant 0 : index
    %get3A_13 = arith.constant 0 : index
    %get3A_14 = vector.load %arg1[%get3A_12, %get3A_13] : memref<256x128xf32, #tpu.memory_space<vmem>>, vector<256x128xf32>
    %get3A_15 = arith.constant 0 : index
    %get3A_16 = arith.constant 0 : index
    %get3A_17 = vector.load %arg2[%get3A_15, %get3A_16] : memref<128x128xf32, #tpu.memory_space<vmem>>, vector<128x128xf32>
    %dot_general3A = arith.constant dense<0.000000e+00> : vector<256x128xf32>
    %dot_general3A_18 = tpu.matmul %get3A_14, %get3A_17, %dot_general3A {dimension_numbers = #tpu.dot_dimension_numbers<[1], [0], [0], [1], [0, 0, 1, 1], [], []>, transpose_lhs_hint = false} : vector<256x128xf32>, vector<128x128xf32>, vector<256x128xf32> -> vector<256x128xf32>
    %swap3A = arith.constant 0 : index
    %swap3A_19 = arith.constant 0 : index
    %swap3A_20 = vector.load %arg4[%swap3A, %swap3A_19] : memref<256x1xf32, #tpu.memory_space<vmem>>, vector<256x1xf32>
    tpu.vector_store %arg4[%swap3A, %swap3A_19], %broadcast_in_dim3A {strides = array<i32>} : memref<256x1xf32, #tpu.memory_space<vmem>>, vector<256x1xf32>,
    %mul3A = vector.broadcast %broadcast_in_dim3A : vector<256x1xf32> to vector<256x128xf32>
    %mul3A_21 = arith.mulf %dot_general3A_18, %mul3A : vector<256x128xf32>
    %swap3A_22 = arith.constant 0 : index
    %swap3A_23 = arith.constant 0 : index
    %swap3A_24 = vector.load %arg5[%swap3A_22, %swap3A_23] : memref<256x128xf32, #tpu.memory_space<vmem>>, vector<256x128xf32>
    tpu.vector_store %arg5[%swap3A_22, %swap3A_23], %mul3A_21 {strides = array<i32>} : memref<256x128xf32, #tpu.memory_space<vmem>>, vector<256x128xf32>,
    return
  }
  func.func @transform_0(%arg0: i32) -> (i32, i32) {
    %c0_i32 = arith.constant 0 : i32
    %c0_i32_0 = arith.constant 0 : i32
    return %arg0, %c0_i32 : i32, i32
  }
  func.func @transform_1(%arg0: i32) -> (i32, i32) {
    %c0_i32 = arith.constant 0 : i32
    %c0_i32_0 = arith.constant 0 : i32
    %c0_i32_1 = arith.constant 0 : i32
    return %c0_i32, %c0_i32_0 : i32, i32
  }
  func.func @transform_2(%arg0: i32) -> (i32, i32) {
    %c0_i32 = arith.constant 0 : i32
    %c0_i32_0 = arith.constant 0 : i32
    return %c0_i32, %arg0 : i32, i32
  }
  func.func @transform_3(%arg0: i32) -> (i32, i32) {
    %c0_i32 = arith.constant 0 : i32
    %c0_i32_0 = arith.constant 0 : i32
    return %arg0, %c0_i32 : i32, i32
  }
  func.func @transform_4(%arg0: i32) -> (i32, i32) {
    %c0_i32 = arith.constant 0 : i32
    %c0_i32_0 = arith.constant 0 : i32
    return %arg0, %c0_i32 : i32, i32
  }
}

module attributes {stable_mosaic.version = 14 : i64} {
  func.func @_t2_body(%arg0: i32, %arg1: memref<2x256x128xf32, #tpu.memory_space<vmem>>, %arg2: memref<256x128xf32, #tpu.memory_space<vmem>>, %arg3: memref<256x1xf32, #tpu.memory_space<vmem>>, %arg4: memref<1x128xf32, #tpu.memory_space<vmem>>, %arg5: memref<128x128xf32, #tpu.memory_space<vmem>>, %arg6: memref<256x128xf32, #tpu.memory_space<vmem>>) attributes {dimension_semantics = [#tpu.dimension_semantics<arbitrary>], iteration_bounds = array<i64: 40>, scalar_prefetch = 0 : i64, scratch_operands = 0 : i64, tpu.core_type = #tpu.core_type<tc>, window_params = [{transform_indices = @transform_0, window_bounds = array<i64: 2, 256, 128>}, {transform_indices = @transform_1, window_bounds = array<i64: 256, 128>}, {transform_indices = @transform_2, window_bounds = array<i64: 256, 1>}, {pipeline_mode = #tpu.pipeline_mode<synchronous>, transform_indices = @transform_3, window_bounds = array<i64: 1, 128>}, {pipeline_mode = #tpu.pipeline_mode<synchronous>, transform_indices = @transform_4, window_bounds = array<i64: 128, 128>}, {transform_indices = @transform_5, window_bounds = array<i64: 256, 128>}]} {
    %get3A = arith.constant 0 : index
    %get3A_0 = arith.constant 0 : index
    %get3A_1 = arith.constant 0 : index
    %get3A_2 = vector.load %arg1[%get3A, %get3A_0, %get3A_1] : memref<2x256x128xf32, #tpu.memory_space<vmem>>, vector<2x256x128xf32>
    %get3A_3 = arith.constant 0 : index
    %get3A_4 = arith.constant 0 : index
    %get3A_5 = vector.load %arg3[%get3A_3, %get3A_4] : memref<256x1xf32, #tpu.memory_space<vmem>>, vector<256x1xf32>
    %slice3A = vector.extract_strided_slice %get3A_2 {offsets = [0, 0, 0], sizes = [1, 256, 128], strides = [1, 1, 1]} : vector<2x256x128xf32> to vector<1x256x128xf32>
    %squeeze3A = vector.shape_cast %slice3A : vector<1x256x128xf32> to vector<256x128xf32>
    %slice3A_6 = vector.extract_strided_slice %get3A_2 {offsets = [1, 0, 0], sizes = [1, 256, 128], strides = [1, 1, 1]} : vector<2x256x128xf32> to vector<1x256x128xf32>
    %squeeze3A_7 = vector.shape_cast %slice3A_6 : vector<1x256x128xf32> to vector<256x128xf32>
    %add3A = arith.addf %squeeze3A, %squeeze3A_7 : vector<256x128xf32>
    %get3A_8 = arith.constant 0 : index
    %get3A_9 = arith.constant 0 : index
    %get3A_10 = vector.load %arg2[%get3A_8, %get3A_9] : memref<256x128xf32, #tpu.memory_space<vmem>>, vector<256x128xf32>
    %add3A_11 = arith.addf %add3A, %get3A_10 : vector<256x128xf32>
    %mul3A = vector.broadcast %get3A_5 : vector<256x1xf32> to vector<256x128xf32>
    %mul3A_12 = arith.mulf %mul3A, %add3A_11 : vector<256x128xf32>
    %get3A_13 = arith.constant 0 : index
    %get3A_14 = arith.constant 0 : index
    %get3A_15 = vector.load %arg4[%get3A_13, %get3A_14] : memref<1x128xf32, #tpu.memory_space<vmem>>, vector<1x128xf32>
    %add3A_16 = vector.broadcast %get3A_15 : vector<1x128xf32> to vector<256x128xf32>
    %add3A_17 = arith.addf %mul3A_12, %add3A_16 : vector<256x128xf32>
    %max3A = arith.constant 0.000000e+00 : f32
    %max3A_18 = vector.broadcast %max3A : f32 to vector<256x128xf32>
    %max3A_19 = arith.maximumf %add3A_17, %max3A_18 : vector<256x128xf32>
    %get3A_20 = arith.constant 0 : index
    %get3A_21 = arith.constant 0 : index
    %get3A_22 = vector.load %arg5[%get3A_20, %get3A_21] : memref<128x128xf32, #tpu.memory_space<vmem>>, vector<128x128xf32>
    %dot_general3A = arith.constant dense<0.000000e+00> : vector<256x128xf32>
    %dot_general3A_23 = tpu.matmul %max3A_19, %get3A_22, %dot_general3A {dimension_numbers = #tpu.dot_dimension_numbers<[1], [0], [0], [1], [0, 0, 1, 1], [], []>, transpose_lhs_hint = false} : vector<256x128xf32>, vector<128x128xf32>, vector<256x128xf32> -> vector<256x128xf32>
    %mul3A_24 = vector.broadcast %get3A_5 : vector<256x1xf32> to vector<256x128xf32>
    %mul3A_25 = arith.mulf %mul3A_24, %dot_general3A_23 : vector<256x128xf32>
    %swap3A = arith.constant 0 : index
    %swap3A_26 = arith.constant 0 : index
    %swap3A_27 = vector.load %arg6[%swap3A, %swap3A_26] : memref<256x128xf32, #tpu.memory_space<vmem>>, vector<256x128xf32>
    tpu.vector_store %arg6[%swap3A, %swap3A_26], %mul3A_25 {strides = array<i32>} : memref<256x128xf32, #tpu.memory_space<vmem>>, vector<256x128xf32>,
    return
  }
  func.func @transform_0(%arg0: i32) -> (i32, i32, i32) {
    %c0_i32 = arith.constant 0 : i32
    %c0_i32_0 = arith.constant 0 : i32
    %c0_i32_1 = arith.constant 0 : i32
    return %c0_i32, %arg0, %c0_i32_0 : i32, i32, i32
  }
  func.func @transform_1(%arg0: i32) -> (i32, i32) {
    %c0_i32 = arith.constant 0 : i32
    %c0_i32_0 = arith.constant 0 : i32
    return %arg0, %c0_i32 : i32, i32
  }
  func.func @transform_2(%arg0: i32) -> (i32, i32) {
    %c0_i32 = arith.constant 0 : i32
    %c0_i32_0 = arith.constant 0 : i32
    return %arg0, %c0_i32 : i32, i32
  }
  func.func @transform_3(%arg0: i32) -> (i32, i32) {
    %c0_i32 = arith.constant 0 : i32
    %c0_i32_0 = arith.constant 0 : i32
    %c0_i32_1 = arith.constant 0 : i32
    return %c0_i32, %c0_i32_0 : i32, i32
  }
  func.func @transform_4(%arg0: i32) -> (i32, i32) {
    %c0_i32 = arith.constant 0 : i32
    %c0_i32_0 = arith.constant 0 : i32
    %c0_i32_1 = arith.constant 0 : i32
    return %c0_i32, %c0_i32_0 : i32, i32
  }
  func.func @transform_5(%arg0: i32) -> (i32, i32) {
    %c0_i32 = arith.constant 0 : i32
    %c0_i32_0 = arith.constant 0 : i32
    return %arg0, %c0_i32 : i32, i32
  }
}

module attributes {stable_mosaic.version = 14 : i64} {
  func.func @_t3_body(%arg0: i32, %arg1: memref<2x256x128xf32, #tpu.memory_space<vmem>>, %arg2: memref<256x128xf32, #tpu.memory_space<vmem>>, %arg3: memref<256x1xf32, #tpu.memory_space<vmem>>, %arg4: memref<1x128xf32, #tpu.memory_space<vmem>>, %arg5: memref<128x8xf32, #tpu.memory_space<vmem>>, %arg6: memref<256x8xf32, #tpu.memory_space<vmem>>) attributes {dimension_semantics = [#tpu.dimension_semantics<arbitrary>], iteration_bounds = array<i64: 40>, scalar_prefetch = 0 : i64, scratch_operands = 0 : i64, tpu.core_type = #tpu.core_type<tc>, window_params = [{transform_indices = @transform_0, window_bounds = array<i64: 2, 256, 128>}, {transform_indices = @transform_1, window_bounds = array<i64: 256, 128>}, {transform_indices = @transform_2, window_bounds = array<i64: 256, 1>}, {pipeline_mode = #tpu.pipeline_mode<synchronous>, transform_indices = @transform_3, window_bounds = array<i64: 1, 128>}, {pipeline_mode = #tpu.pipeline_mode<synchronous>, transform_indices = @transform_4, window_bounds = array<i64: 128, 8>}, {transform_indices = @transform_5, window_bounds = array<i64: 256, 8>}]} {
    %get3A = arith.constant 0 : index
    %get3A_0 = arith.constant 0 : index
    %get3A_1 = arith.constant 0 : index
    %get3A_2 = vector.load %arg1[%get3A, %get3A_0, %get3A_1] : memref<2x256x128xf32, #tpu.memory_space<vmem>>, vector<2x256x128xf32>
    %get3A_3 = arith.constant 0 : index
    %get3A_4 = arith.constant 0 : index
    %get3A_5 = vector.load %arg3[%get3A_3, %get3A_4] : memref<256x1xf32, #tpu.memory_space<vmem>>, vector<256x1xf32>
    %slice3A = vector.extract_strided_slice %get3A_2 {offsets = [0, 0, 0], sizes = [1, 256, 128], strides = [1, 1, 1]} : vector<2x256x128xf32> to vector<1x256x128xf32>
    %squeeze3A = vector.shape_cast %slice3A : vector<1x256x128xf32> to vector<256x128xf32>
    %slice3A_6 = vector.extract_strided_slice %get3A_2 {offsets = [1, 0, 0], sizes = [1, 256, 128], strides = [1, 1, 1]} : vector<2x256x128xf32> to vector<1x256x128xf32>
    %squeeze3A_7 = vector.shape_cast %slice3A_6 : vector<1x256x128xf32> to vector<256x128xf32>
    %add3A = arith.addf %squeeze3A, %squeeze3A_7 : vector<256x128xf32>
    %get3A_8 = arith.constant 0 : index
    %get3A_9 = arith.constant 0 : index
    %get3A_10 = vector.load %arg2[%get3A_8, %get3A_9] : memref<256x128xf32, #tpu.memory_space<vmem>>, vector<256x128xf32>
    %add3A_11 = arith.addf %add3A, %get3A_10 : vector<256x128xf32>
    %mul3A = vector.broadcast %get3A_5 : vector<256x1xf32> to vector<256x128xf32>
    %mul3A_12 = arith.mulf %mul3A, %add3A_11 : vector<256x128xf32>
    %get3A_13 = arith.constant 0 : index
    %get3A_14 = arith.constant 0 : index
    %get3A_15 = vector.load %arg4[%get3A_13, %get3A_14] : memref<1x128xf32, #tpu.memory_space<vmem>>, vector<1x128xf32>
    %add3A_16 = vector.broadcast %get3A_15 : vector<1x128xf32> to vector<256x128xf32>
    %add3A_17 = arith.addf %mul3A_12, %add3A_16 : vector<256x128xf32>
    %max3A = arith.constant 0.000000e+00 : f32
    %max3A_18 = vector.broadcast %max3A : f32 to vector<256x128xf32>
    %max3A_19 = arith.maximumf %add3A_17, %max3A_18 : vector<256x128xf32>
    %get3A_20 = arith.constant 0 : index
    %get3A_21 = arith.constant 0 : index
    %get3A_22 = vector.load %arg5[%get3A_20, %get3A_21] : memref<128x8xf32, #tpu.memory_space<vmem>>, vector<128x8xf32>
    %dot_general3A = arith.constant dense<0.000000e+00> : vector<256x8xf32>
    %dot_general3A_23 = tpu.matmul %max3A_19, %get3A_22, %dot_general3A {dimension_numbers = #tpu.dot_dimension_numbers<[1], [0], [0], [1], [0, 0, 1, 1], [], []>, transpose_lhs_hint = false} : vector<256x128xf32>, vector<128x8xf32>, vector<256x8xf32> -> vector<256x8xf32>
    %mul3A_24 = vector.broadcast %get3A_5 : vector<256x1xf32> to vector<256x8xf32>
    %mul3A_25 = arith.mulf %mul3A_24, %dot_general3A_23 : vector<256x8xf32>
    %swap3A = arith.constant 0 : index
    %swap3A_26 = arith.constant 0 : index
    %swap3A_27 = vector.load %arg6[%swap3A, %swap3A_26] : memref<256x8xf32, #tpu.memory_space<vmem>>, vector<256x8xf32>
    tpu.vector_store %arg6[%swap3A, %swap3A_26], %mul3A_25 {strides = array<i32>} : memref<256x8xf32, #tpu.memory_space<vmem>>, vector<256x8xf32>,
    return
  }
  func.func @transform_0(%arg0: i32) -> (i32, i32, i32) {
    %c0_i32 = arith.constant 0 : i32
    %c0_i32_0 = arith.constant 0 : i32
    %c0_i32_1 = arith.constant 0 : i32
    return %c0_i32, %arg0, %c0_i32_0 : i32, i32, i32
  }
  func.func @transform_1(%arg0: i32) -> (i32, i32) {
    %c0_i32 = arith.constant 0 : i32
    %c0_i32_0 = arith.constant 0 : i32
    return %arg0, %c0_i32 : i32, i32
  }
  func.func @transform_2(%arg0: i32) -> (i32, i32) {
    %c0_i32 = arith.constant 0 : i32
    %c0_i32_0 = arith.constant 0 : i32
    return %arg0, %c0_i32 : i32, i32
  }
  func.func @transform_3(%arg0: i32) -> (i32, i32) {
    %c0_i32 = arith.constant 0 : i32
    %c0_i32_0 = arith.constant 0 : i32
    %c0_i32_1 = arith.constant 0 : i32
    return %c0_i32, %c0_i32_0 : i32, i32
  }
  func.func @transform_4(%arg0: i32) -> (i32, i32) {
    %c0_i32 = arith.constant 0 : i32
    %c0_i32_0 = arith.constant 0 : i32
    %c0_i32_1 = arith.constant 0 : i32
    return %c0_i32, %c0_i32_0 : i32, i32
  }
  func.func @transform_5(%arg0: i32) -> (i32, i32) {
    %c0_i32 = arith.constant 0 : i32
    %c0_i32_0 = arith.constant 0 : i32
    return %arg0, %c0_i32 : i32, i32
  }
}

module attributes {stable_mosaic.version = 14 : i64} {
  func.func @_t4_body(%arg0: i32, %arg1: memref<2x256xf32, #tpu.memory_space<vmem>>, %arg2: memref<256x1xf32, #tpu.memory_space<vmem>>, %arg3: memref<256x1xf32, #tpu.memory_space<vmem>>, %arg4: memref<1x1xf32, #tpu.memory_space<vmem>>, %arg5: memref<256x1xf32, #tpu.memory_space<vmem>>) attributes {dimension_semantics = [#tpu.dimension_semantics<arbitrary>], iteration_bounds = array<i64: 40>, scalar_prefetch = 0 : i64, scratch_operands = 0 : i64, tpu.core_type = #tpu.core_type<tc>, window_params = [{transform_indices = @transform_0, window_bounds = array<i64: 2, 256>}, {transform_indices = @transform_1, window_bounds = array<i64: 256, 1>}, {transform_indices = @transform_2, window_bounds = array<i64: 256, 1>}, {pipeline_mode = #tpu.pipeline_mode<synchronous>, transform_indices = @transform_3, window_bounds = array<i64: 1, 1>}, {transform_indices = @transform_4, window_bounds = array<i64: 256, 1>}]} {
    %get3A = arith.constant 0 : index
    %get3A_0 = arith.constant 0 : index
    %get3A_1 = vector.load %arg1[%get3A, %get3A_0] : memref<2x256xf32, #tpu.memory_space<vmem>>, vector<2x256xf32>
    %slice3A = vector.extract_strided_slice %get3A_1 {offsets = [0, 0], sizes = [1, 256], strides = [1, 1]} : vector<2x256xf32> to vector<1x256xf32>
    %squeeze3A = vector.shape_cast %slice3A : vector<1x256xf32> to vector<256xf32>
    %slice3A_2 = vector.extract_strided_slice %get3A_1 {offsets = [1, 0], sizes = [1, 256], strides = [1, 1]} : vector<2x256xf32> to vector<1x256xf32>
    %squeeze3A_3 = vector.shape_cast %slice3A_2 : vector<1x256xf32> to vector<256xf32>
    %add3A = arith.addf %squeeze3A, %squeeze3A_3 : vector<256xf32>
    %broadcast_in_dim3A = vector.shape_cast %add3A : vector<256xf32> to vector<256x1xf32>
    %get3A_4 = arith.constant 0 : index
    %get3A_5 = arith.constant 0 : index
    %get3A_6 = vector.load %arg3[%get3A_4, %get3A_5] : memref<256x1xf32, #tpu.memory_space<vmem>>, vector<256x1xf32>
    %get3A_7 = arith.constant 0 : index
    %get3A_8 = arith.constant 0 : index
    %get3A_9 = vector.load %arg2[%get3A_7, %get3A_8] : memref<256x1xf32, #tpu.memory_space<vmem>>, vector<256x1xf32>
    %add3A_10 = arith.addf %broadcast_in_dim3A, %get3A_9 : vector<256x1xf32>
    %mul3A = arith.mulf %get3A_6, %add3A_10 : vector<256x1xf32>
    %get3A_11 = arith.constant 0 : index
    %get3A_12 = arith.constant 0 : index
    %get3A_13 = vector.load %arg4[%get3A_11, %get3A_12] : memref<1x1xf32, #tpu.memory_space<vmem>>, vector<1x1xf32>
    %get3A_14 = vector.extract %get3A_13[0, 0] : f32 from vector<1x1xf32>
    %add3A_15 = vector.broadcast %get3A_14 : f32 to vector<256x1xf32>
    %add3A_16 = arith.addf %mul3A, %add3A_15 : vector<256x1xf32>
    %max3A = arith.constant 0.000000e+00 : f32
    %max3A_17 = vector.broadcast %max3A : f32 to vector<256x1xf32>
    %max3A_18 = arith.maximumf %add3A_16, %max3A_17 : vector<256x1xf32>
    %swap3A = arith.constant 0 : index
    %swap3A_19 = arith.constant 0 : index
    %swap3A_20 = vector.load %arg5[%swap3A, %swap3A_19] : memref<256x1xf32, #tpu.memory_space<vmem>>, vector<256x1xf32>
    tpu.vector_store %arg5[%swap3A, %swap3A_19], %max3A_18 {strides = array<i32>} : memref<256x1xf32, #tpu.memory_space<vmem>>, vector<256x1xf32>,
    return
  }
  func.func @transform_0(%arg0: i32) -> (i32, i32) {
    %c0_i32 = arith.constant 0 : i32
    %c0_i32_0 = arith.constant 0 : i32
    return %c0_i32, %arg0 : i32, i32
  }
  func.func @transform_1(%arg0: i32) -> (i32, i32) {
    %c0_i32 = arith.constant 0 : i32
    %c0_i32_0 = arith.constant 0 : i32
    return %arg0, %c0_i32 : i32, i32
  }
  func.func @transform_2(%arg0: i32) -> (i32, i32) {
    %c0_i32 = arith.constant 0 : i32
    %c0_i32_0 = arith.constant 0 : i32
    return %arg0, %c0_i32 : i32, i32
  }
  func.func @transform_3(%arg0: i32) -> (i32, i32) {
    %c0_i32 = arith.constant 0 : i32
    %c0_i32_0 = arith.constant 0 : i32
    %c0_i32_1 = arith.constant 0 : i32
    return %c0_i32, %c0_i32_0 : i32, i32
  }
  func.func @transform_4(%arg0: i32) -> (i32, i32) {
    %c0_i32 = arith.constant 0 : i32
    %c0_i32_0 = arith.constant 0 : i32
    return %arg0, %c0_i32 : i32, i32
  }
}

</mosaic_0001>

<sc_bundles>
// kernel: kernel.10.cloned.1.call-start
scs
__scs_entry_jumppad:
0x0: {  	(pc) =	sbr.rel $0x88, $3  }
0x1: {  	(tag) =	ssettag $0x0;
	lr =	simm.s32 $0x1  }
0x2: {  	[smem:$0x3F99] =	sst lr;
	_ =	strace $0xD0000000  }
0x3: {  	_ = 	snop  }
0x4: {  	_ = 	snop  }
0x5: {  	_ = 	snop  }
0x6: {  	_ = 	snop  }
0x7: {  	_ = 	snop  }
__scs_overlays_trampoline_lowered:
0x8: {  	[smem:$0x3FA8] =	sst s0  }
0x9: {  	[smem:$0x3FA9] =	sst s1  }
0xa: {  	[smem:$0x3FAA] =	sst s2  }
0xb: {  	[smem:$0x3FAB] =	sst s3  }
0xc: {  	[smem:$0x3FAC] =	sst s4  }
0xd: {  	[smem:$0x3FAD] =	sst s5  }
0xe: {  	[smem:$0x3FAE] =	sst s6  }
0xf: {  	[smem:$0x3FAF] =	sst s7  }
0x10: {  	[smem:$0x3FB0] =	sst s8  }
0x11: {  	[smem:$0x3FB1] =	sst s9;
	s0 =	simm.s32 @!p0 $0x0  }
0x12: {  	s1 =	sld [smem:$0x3F97];
	s0 =	simm.s32 @p0 $0x1  }
0x13: {  	[smem:$0x3FB2] =	sst s0;
	s0 =	simm.s32 @!p1 $0x0  }
0x14: {  	s2 =	sld [smem:$0x3F96];
	s0 =	simm.s32 @p1 $0x1  }
0x15: {  	[smem:$0x3FB3] =	sst s0;
	s0 =	simm.s32 @!p2 $0x0  }
0x16: {  	s3 =	sld [smem:$0x3FDB];
	s0 =	simm.s32 @p2 $0x1  }
0x17: {  	s4 =	simm.s32 $0x1BF5;
	[smem:$0x3FB5] =	sst s0  }
0x18: {  	s0 =	sld [smem:$0x3F98];
	_ =	swait.ge [sflag:s4], $0x0  }
0x19: {  	s7 =	sld [smem:$0x3F99]  }
0x1a: {  	s8 =	sadd.s32 $0xFFFFE003, lr  }
0x1b: {  	s9 =	sadd.s32 $0xFFFFFEF7, lr;
	s5 =	simm.s32 $0xFFFFFFFF;
	p2 =	slt.u32 s8, $0xFFFFF086  }
0x1c: {  	p1 =	slt.u32 s9, $0xF7A;
	s5 =	simm.s32 @!p2 $0x0  }
0x1d: {  	s5 =	simm.s32 @p1 $0x1;
	p0 =	seq.s32 s7, s2  }
0x1e: {  	s7 =	smul.u32 @!p0 $0xF7A, s2;
	p2 =	seq.s32 @!p0 s5, $0x0  }
0x1f: {  	s9 =	smul.u32 $0xF7A, s1;
	s8 =	simm.s32 @!p0 $0x1BF5;
	p2 =	por !p2, p0  }
0x20: {  	[sflag:s8] =	ssyncset.s32 @!p0 $0xFFFFF086;
	s6 =	sadd.s32 @!p0 s3, s7;
	s7 =	simm.s32 @!p0 $0x108  }
0x21: {  	s3 =	sadd.s32 s3, s9;
	s6 =	sadd.s32 @!p0 $0x88, s6;
	s7 =	simm.s32 @p2 $0x1082  }
0x22: {  	[simem:s7], [sflag:s8] =	dma.local @!p0 [hbm:s6], $0xF7A  }
0x23: {  	s9 =	sor.u32 $0xD0000000, s2;
	s6 =	simm.s32 $0x108;
	_ =	swait.ge @!p0 [sflag:s8], $0x0  }
0x24: {  	s3 =	sadd.s32 $0x88, s3;
	s6 =	simm.s32 @!p1 $0x1082;
	[sflag:s4] =	ssyncset.s32 $0xFFFFF086  }
0x25: {  	[simem:s6], [sflag:s4] =	dma.local [hbm:s3], $0xF7A  }
0x26: {  	[smem:$0x3F99] =	sst s1;
	(tag) =	ssettag s2;
	_ =	strace s9  }
0x27: {  	s1 =	sld [smem:$0x3FA9]  }
0x28: {  	s2 =	sld [smem:$0x3FAA]  }
0x29: {  	s4 =	sld [smem:$0x3FAC]  }
0x2a: {  	p0 =	seq.s32 s5, $0x0;
	s5 =	sld [smem:$0x3FAD]  }
0x2b: {  	s6 =	sld [smem:$0x3FAE]  }
0x2c: {  	s7 =	sld [smem:$0x3FAF]  }
0x2d: {  	s3 =	simm.s32 $0x108;
	s8 =	sld [smem:$0x3FB0]  }
0x2e: {  	s3 =	simm.s32 @!p0 $0x1082;
	s9 =	sld [smem:$0x3FB1]  }
0x2f: {  	lr =	sadd.s32 s0, s3;
	s0 =	sld [smem:$0x3FA8]  }
0x30: {  	s3 =	sld [smem:$0x3FAB]  }
0x31: {  	[smem:$0x3FB4] =	sst s10  }
0x32: {  	s10 =	sld [smem:$0x3FB2];
	_ =	sdelay $0x3  }
0x33: {  	p0 =	seq.s32 s10, $0x1;
	s10 =	sld [smem:$0x3FB4];
	_ =	sdelay $0x3  }
0x34: {  	[smem:$0x3FB4] =	sst s10  }
0x35: {  	s10 =	sld [smem:$0x3FB3];
	_ =	sdelay $0x3  }
0x36: {  	p1 =	seq.s32 s10, $0x1;
	s10 =	sld [smem:$0x3FB4];
	_ =	sdelay $0x3  }
0x37: {  	[smem:$0x3FB4] =	sst s10  }
0x38: {  	s10 =	sld [smem:$0x3FB5]  }
0x39: {  	_ = 	snop;
	(pc) =	sbr.ind lr, $3  }
0x3a: {  	_ = 	snop  }
0x3b: {  	_ = 	snop  }
0x3c: {  	p2 =	seq.s32 s10, $0x1;
	s10 =	sld [smem:$0x3FB4]  }
0x3d: {  	_ =	shalt  }
0x3e: {  	_ =	shalt  }
0x3f: {  	_ =	shalt  }
0x40: {  	_ =	shalt  }
0x41: {  	_ =	shalt  }
0x42: {  	_ =	shalt  }
0x43: {  	_ =	shalt  }
0x44: {  	_ =	shalt  }
0x45: {  	_ =	shalt  }
0x46: {  	_ =	shalt  }
0x47: {  	_ =	shalt  }
0x48: {  	_ =	shalt  }
0x49: {  	_ =	shalt  }
0x4a: {  	_ =	shalt  }
0x4b: {  	_ =	shalt  }
0x4c: {  	_ =	shalt  }
0x4d: {  	_ =	shalt  }
0x4e: {  	_ =	shalt  }
0x4f: {  	_ =	shalt  }
0x50: {  	_ =	shalt  }
0x51: {  	_ =	shalt  }
0x52: {  	_ =	shalt  }
0x53: {  	_ =	shalt  }
0x54: {  	_ =	shalt  }
0x55: {  	_ =	shalt  }
0x56: {  	_ =	shalt  }
0x57: {  	_ =	shalt  }
0x58: {  	_ =	shalt  }
0x59: {  	_ =	shalt  }
0x5a: {  	_ =	shalt  }
0x5b: {  	_ =	shalt  }
0x5c: {  	_ =	shalt  }
0x5d: {  	_ =	shalt  }
0x5e: {  	_ =	shalt  }
0x5f: {  	_ =	shalt  }
0x60: {  	_ =	shalt  }
0x61: {  	_ =	shalt  }
0x62: {  	_ =	shalt  }
0x63: {  	_ =	shalt  }
0x64: {  	_ =	shalt  }
0x65: {  	_ =	shalt  }
0x66: {  	_ =	shalt  }
0x67: {  	_ =	shalt  }
0x68: {  	_ =	shalt  }
0x69: {  	_ =	shalt  }
0x6a: {  	_ =	shalt  }
0x6b: {  	_ =	shalt  }
0x6c: {  	_ =	shalt  }
0x6d: {  	_ =	shalt  }
0x6e: {  	_ =	shalt  }
0x6f: {  	_ =	shalt  }
0x70: {  	_ =	shalt  }
0x71: {  	_ =	shalt  }
0x72: {  	_ =	shalt  }
0x73: {  	_ =	shalt  }
0x74: {  	_ =	shalt  }
0x75: {  	_ =	shalt  }
0x76: {  	_ =	shalt  }
0x77: {  	_ =	shalt  }
0x78: {  	_ =	shalt  }
0x79: {  	_ =	shalt  }
0x7a: {  	_ =	shalt  }
0x7b: {  	_ =	shalt  }
0x7c: {  	_ =	shalt  }
0x7d: {  	_ =	shalt  }
0x7e: {  	_ =	shalt  }
0x7f: {  	_ =	shalt  }
0x80: {  	_ =	shalt  }
0x81: {  	_ =	shalt  }
0x82: {  	_ =	shalt  }
0x83: {  	_ =	shalt  }
0x84: {  	_ =	shalt  }
0x85: {  	_ =	shalt  }
0x86: {  	_ =	shalt  }
0x87: {  	_ =	shalt  }
.Lfunc_end0:
.L_simem_size_0:
called_computation_lowered:
.L_overlay_start_0:
0x88: {  	s2 =	sld [smem:$0x3FD9]  }
0x89: {  	s3 =	sld [smem:$0x3FFE];
	_ =	sdelay $0x1  }
0x8a: {  	s1 =	srdreg.scid  }
0x8b: {  	s0 =	sand.u32 $0x1, s1  }
0x8c: {  	s16 =	sshll.u32 s0, $0xA;
	s2 =	sadd.s32 s3, s2  }
0x8d: {  	s2 =	sadd.s32 s2, s16  }
0x8e: {  	[smem:$0x3FC0] =	sst s2  }
0x8f: {  	_ = 	snop  }
0x90: {  	(tm) =	ssettm $0x1  }
0x91: {  	s17 =	sld [smem:$0x3FFB];
	_ =	sdelay $0x3  }
0x92: {  	_ =	strace s17  }
0x93: {  	s2 =	sld [smem:$0x3FFC];
	_ =	sdelay $0x3  }
0x94: {  	_ =	strace s2  }
0x95: {  	s2 =	sld [smem:$0x3FFD];
	_ =	sdelay $0x3  }
0x96: {  	_ =	strace s2  }
0x97: {  	_ =	strace $0x8FFFFFFF  }
0x98: {  	s18 =	sld [smem:$0x3FDB];
	_ =	sdelay $0x1  }
0x99: {  	s19 =	simm.s32 $_scs_section_size  }
0x9a: {  	s4 =	simm.s32 $_size__tile_overlayer_lowered;
	s5 =	simm.s32 $_tile_overlayer_lowered  }
0x9b: {  	s22 =	simm.s32 $0x1BFF;
	s21 =	sshll.u32 s5, $0x1;
	s2 =	sadd.s32 s19, s18  }
0x9c: {  	s6 =	simm.s32 $0x0;
	s20 =	sshll.u32 s4, $0x1;
	s4 =	sadd.s32 s21, s2  }
0x9d: {  	[timem:s6], [sflag:s22] =	dma.local [hbm:s4], s20  }
0x9e: {  	_ =	swait.ge [sflag:s22], s20  }
0x9f: {  	s3 =	ssub.s32 $0x0, s20;
	[sflag:s22] =	ssyncset.done $0x0  }
0xa0: {  	[sflag:s22] =	ssyncadd.s32 s3;
	_ =	sdelay $0x1  }
0xa1: {  	s23 =	simm.s32 $0x1B8B  }
0xa2: {  	_ =	swait.ge [sflag:s23], $0x1  }
0xa3: {  	[sflag:s23] =	ssyncset.done $0x0  }
0xa4: {  	s25 =	simm.s32 $0x1B8E;
	s24 =	sld [smem:$0x3FFE];
	[sflag:s23] =	ssyncadd.s32 $0xFFFFFFFF  }
0xa5: {  	s26 =	simm.s32 $execute0_lowered;
	[smem:$0x3FD2] =	sst s25  }
0xa6: {  	s4 =	sshll.u32 s26, $0x1;
	_ =	strace $0x80000046;
	[dreg:$0x1] =	wrdreg $0xFFFFFFFF  }
0xa7: {  	s28 =	simm.s32 $_size_execute0_lowered;
	s2 =	sadd.s32 s2, s4;
	[dreg:$0x0] =	wrdreg $0x0  }
0xa8: {  	s4 =	sshll.u32 s28, $0x1;
	[dreg:$0x2] =	wrdreg s2  }
0xa9: {  	[dreg:$0x3] =	wrdreg s4  }
0xaa: {  	[dreg:$0x4] =	wrdreg $0xC0  }
0xab: {  	_ =	task [dreg:s6], $0x5FFFF  }
0xac: {  	[dreg:$0x1] =	wrdreg $0xFFFFFFFF  }
0xad: {  	[dreg:$0x0] =	wrdreg $0x60  }
0xae: {  	[dreg:$0x2] =	wrdreg s24  }
0xaf: {  	[dreg:$0x3] =	wrdreg $0x28800  }
0xb0: {  	[dreg:$0x4] =	wrdreg $0x9  }
0xb1: {  	_ =	task.clear_ibuf [dreg:s6], $0x5FFFF;
	_ =	strace $0x90000046  }
0xb2: {  	s29 =	simm.s32 $0x9;
	_ =	strace $0x80000048  }
0xb3: {  	_ =	swait.ge [sflag:s29], $0x1  }
0xb4: {  	[sflag:s29] =	ssyncadd.s32 $0xFFFFFFFF  }
0xb5: {  	_ =	strace $0x90000048  }
0xb6: {  	_ =	sfence  }
0xb7: {  	s30 =	sld [smem:$0x0];
	_ =	sdelay $0x2  }
0xb8: {  	s31 =	sshll.u32 s1, $0xD;
	s1 =	sshrl.u32 s1, $0x2  }
0xb9: {  	s3 =	sand.u32 $0x4000, s31;
	s1 =	sadd.s32 s1, s30  }
0xba: {  	s0 =	sor.u32 s3, s0;
	s1 =	sshll.u32 s1, $0x11  }
0xbb: {  	s0 =	sor.u32 s1, s0  }
0xbc: {  	s0 =	sadd.s32 $0x8F2B, s0  }
0xbd: {  	[sflag:s0] =	ssyncadd.remote.s32 $0x1  }
0xbe: {  	_ =	sfence.sel $0xFFFF  }
0xbf: {  	[dreg:$0x0] =	wrdreg $0xFFFFFFFF;
	(pc) =	sbr.abs _section_cstart, $3  }
0xc0: {  	[dreg:$0x1] =	wrdreg $0xFFFFFFFF  }
0xc1: {  	_ =	task.clear_ibuf [dreg:s6], $0x2FFFF;
	_ =	strace $0x9FFFFFFF  }
0xc2: {  	(tm) =	ssettm $0x7FFFFFFF  }
0xc3: {  	_ =	shalt  }
tec
execute0_lowered:
.L_overlay_start_1:
0x0: {  	(tag) =	ssettag $0x1  }
0x1: {  	s0 =	srdreg.scid;
	s5 =	rddreg [dreg:$0x0]  }
0x2: {  	s2 =	rddreg [dreg:$0x1];
	s3 =	simm.s32 $0x0;
	s12 =	simm.s32 $0x2800  }
0x3: {  	s13 =	simm.s32 $0x20;
	s4 =	sand.u32 $0x1, s0;
	s0 =	stileid.u32  }
0x4: {  	s14 =	simm.s32 $0x10;
	s15 =	simm.s32 $0x0;
	s7 =	smul.u32 $0x500, s0  }
0x5: {  	[smem:$0x7FF] =	sst s3;
	s1 =	sshll.u32 s4, $0x4;
	s8 =	smul.u32 $0x280, s0  }
0x6: {  	s9 =	sshll.u32 s4, $0x7;
	s4 =	ssub.s32 $0x2, s4;
	s1 =	sor.u32 s0, s1  }
0x7: {  	s31 =	sshll.u32 s0, $0x6;
	s30 =	sshrl.u32 s4, $0x1;
	s6 =	smul.u32 $0x500, s1  }
0x8: {  	s1 =	rddreg [dreg:$0x2];
	_ =	strace $0x80000047;
	s7 =	sor.u32 s9, s7  }
0x9: {  	s29 =	sshrl.u32 s8, $0x3;
	s10 =	ssub.s32 s4, s30;
	s11 =	sadd.s32 s8, s2  }
0xa: {  	s7 =	sshrl.u32 s7, $0x3;
	s9 =	sadd.s32 s29, s5;
	s8 =	smax.u32 s10, $0x1  }
0xb: {  	s10 =	simm.s32 $0x1;
	s6 =	sadd.s32 s6, s5;
	s7 =	sadd.s32 s7, s5  }
0xc: {  	s4 =	sadd.s32 $0xC400, s9;
	s5 =	sor.u32 $0x1C01, s31;
	s9 =	sshrl.u32 s11, $0x3  }
0xd: {  	v0 =	vimm.f32 $1.000000000e+00;
	s11 =	simm.s32 $0x80;
	s6 =	sadd.s32 $0x2400, s6;
	s7 =	sadd.s32 $0xCA00, s7  }
.LBB2_1:
0xe: {  	[spmem:s9], [sflag:s5] =	dma.local [hbm:s4], $0x50  }
0xf: {  	_ =	swait.ge [sflag:s10], $0x50  }
0x10: {  	[sflag:s10] =	ssyncset.done $0x0  }
0x11: {  	[sflag:s10] =	ssyncadd.s32 $0xFFFFFFB0  }
0x12: {  	[tilespmem:$0x2800] =	vst v0  }
0x13: {  	[tilespmem:$0x2810] =	vst v0  }
0x14: {  	[tilespmem:$0x2820] =	vst v0  }
0x15: {  	[tilespmem:$0x2830] =	vst v0  }
0x16: {  	[tilespmem:$0x2840] =	vst v0  }
0x17: {  	[tilespmem:$0x2850] =	vst v0  }
0x18: {  	[tilespmem:$0x2860] =	vst v0  }
0x19: {  	[tilespmem:$0x2870] =	vst v0  }
0x1a: {  	[tilespmem:s3], [sflag:$0x1] =	stream.linear.gather [hbm4b:s6+s3], $0x2780, $0x38;
	[tilespmem:$0x2B00] =	vst v63  }
0x1b: {  	_ =	swait.ge [sflag:s10], $0x2780  }
0x1c: {  	[sflag:s10] =	ssyncset.done $0x0  }
0x1d: {  	[sflag:s10] =	ssyncadd.s32 $0xFFFFD880  }
0x1e: {  	s16 =	simm.s32 $0x0;
	[bflag:$0x0] =	sbarrier.arrive $0xFFFF  }
0x1f: {  	[spmem:s2] =	stream.indirect.scatter.add.f32 [tilespmem:s12], [sflag:$0x1], $0x1, s16, s11, $0xb8;
	[tilespmem:$0x2B00] =	vst v63  }
0x20: {  	_ =	swait.ge [sflag:s10], $0x80  }
0x21: {  	s16 =	simm.s32 $0x200;
	[sflag:s10] =	ssyncset.done $0x0  }
.LBB2_2:
0x22: {  	s17 =	sshra.s32 s16, $0x2;
	[sflag:s10] =	ssyncadd.s32 $0xFFFFFF80;
	p0 =	sne.s32 s16, $0x9C00  }
0x23: {  	[spmem:s2] =	stream.indirect.scatter.add.f32 [tilespmem:s12], [sflag:$0x1], $0x1, s17, s11, $0xb8;
	[tilespmem:$0x2B00] =	vst v63  }
.Ltmp0:
0x24: {  	_ = 	snop;
	(pc) =	sbr.rel @p0 .LBB2_2-.Ltmp0, $4  }
0x25: {  	_ = 	snop  }
0x26: {  	s16 =	sadd.s32 $0x200, s16  }
0x27: {  	_ =	swait.ge [sflag:s10], $0x80  }
0x28: {  	[sflag:s10] =	ssyncset.done $0x0  }
0x29: {  	s15 =	sadd.s32 $0x1, s15  }
0x2a: {  	[sflag:s10] =	ssyncadd.s32 $0xFFFFFF80;
	p0 =	sne.s32 s15, s8  }
.Ltmp1:
0x2b: {  	[bflag:$0x0] =	sbarrier.arrive $0xFFFF;
	(pc) =	sbr.rel @p0 .LBB2_1-.Ltmp1, $4  }
0x2c: {  	[hbm:s7@s13], [sflag:s5] =	dma.strided [spmem:s9@s14], $0x50, s10, $0x10   }
0x2d: {  	_ =	swait.ge [sflag:s10], $0x50  }
0x2e: {  	[sflag:s10] =	ssyncset.done $0x0  }
0x2f: {  	[sflag:s10] =	ssyncadd.s32 $0xFFFFFFB0  }
0x30: {  	_ =	sfence.sel $0x180000  }
0x31: {  	[bflag:$0x0] =	sbarrier.arrive $0xFFFF  }
0x32: {  	p0 =	sne.s32 s0, $0x0;
	_ =	strace $0x90000047  }
0x33: {  	s0 =	sadd.s32 @!p0 $0x100000, s1;
	[bflag:$0x2] =	sbarrier.arrive $0xFFFF  }
0x34: {  	[sflag:s0] =	ssyncadd.tile.s32 @!p0 $0x1;
	_ =	shalt  }
.Lfunc_end2:
_tile_overlayer_lowered:
.L_overlay_start_2:
0x35: {  	(tag) =	ssettag $0x2  }
0x36: {  	s0 =	rddreg [dreg:$0x0];
	s2 =	stileid.u32  }
0x37: {  	s1 =	rddreg [dreg:$0x1];
	p0 =	sne.s32 s2, $0x0  }
0x38: {  	s3 =	rddreg [dreg:$0x2];
	[bflag:$0x3] =	sbarrier.arrive $0xFFFF;
	s2 =	simm.s32 @!p0 $0x1C01  }
0x39: {  	[timem:s3], [sflag:s2] =	dma.local @!p0 [hbm:s0], s1  }
0x3a: {  	s0 =	simm.s32 @!p0 $0x1  }
0x3b: {  	_ =	swait.ge @!p0 [sflag:s0], s1  }
0x3c: {  	s1 =	ssub.s32 @!p0 $0x0, s1;
	[sflag:s0] =	ssyncset.done @!p0 $0x0  }
0x3d: {  	[sflag:s0] =	ssyncadd.s32 @!p0 s1  }
0x3e: {  	[bflag:$0x3] =	sbarrier.arrive $0xFFFF  }
0x3f: {  	_ =	shalt  }

// kernel: kernel.13.cloned.1.call-start
scs
__scs_entry_jumppad:
0x0: {  	(pc) =	sbr.rel $0x88, $3  }
0x1: {  	(tag) =	ssettag $0x0;
	lr =	simm.s32 $0x1  }
0x2: {  	[smem:$0x3F99] =	sst lr;
	_ =	strace $0xD0000000  }
0x3: {  	_ = 	snop  }
0x4: {  	_ = 	snop  }
0x5: {  	_ = 	snop  }
0x6: {  	_ = 	snop  }
0x7: {  	_ = 	snop  }
__scs_overlays_trampoline_lowered:
0x8: {  	[smem:$0x3FA8] =	sst s0  }
0x9: {  	[smem:$0x3FA9] =	sst s1  }
0xa: {  	[smem:$0x3FAA] =	sst s2  }
0xb: {  	[smem:$0x3FAB] =	sst s3  }
0xc: {  	[smem:$0x3FAC] =	sst s4  }
0xd: {  	[smem:$0x3FAD] =	sst s5  }
0xe: {  	[smem:$0x3FAE] =	sst s6  }
0xf: {  	[smem:$0x3FAF] =	sst s7  }
0x10: {  	[smem:$0x3FB0] =	sst s8  }
0x11: {  	[smem:$0x3FB1] =	sst s9;
	s0 =	simm.s32 @!p0 $0x0  }
0x12: {  	s1 =	sld [smem:$0x3F97];
	s0 =	simm.s32 @p0 $0x1  }
0x13: {  	[smem:$0x3FB2] =	sst s0;
	s0 =	simm.s32 @!p1 $0x0  }
0x14: {  	s2 =	sld [smem:$0x3F96];
	s0 =	simm.s32 @p1 $0x1  }
0x15: {  	[smem:$0x3FB3] =	sst s0;
	s0 =	simm.s32 @!p2 $0x0  }
0x16: {  	s3 =	sld [smem:$0x3FDB];
	s0 =	simm.s32 @p2 $0x1  }
0x17: {  	s4 =	simm.s32 $0x1BF5;
	[smem:$0x3FB5] =	sst s0  }
0x18: {  	s0 =	sld [smem:$0x3F98];
	_ =	swait.ge [sflag:s4], $0x0  }
0x19: {  	s7 =	sld [smem:$0x3F99]  }
0x1a: {  	s8 =	sadd.s32 $0xFFFFE003, lr  }
0x1b: {  	s9 =	sadd.s32 $0xFFFFFEF7, lr;
	s5 =	simm.s32 $0xFFFFFFFF;
	p2 =	slt.u32 s8, $0xFFFFF086  }
0x1c: {  	p1 =	slt.u32 s9, $0xF7A;
	s5 =	simm.s32 @!p2 $0x0  }
0x1d: {  	s5 =	simm.s32 @p1 $0x1;
	p0 =	seq.s32 s7, s2  }
0x1e: {  	s7 =	smul.u32 @!p0 $0xF7A, s2;
	p2 =	seq.s32 @!p0 s5, $0x0  }
0x1f: {  	s9 =	smul.u32 $0xF7A, s1;
	s8 =	simm.s32 @!p0 $0x1BF5;
	p2 =	por !p2, p0  }
0x20: {  	[sflag:s8] =	ssyncset.s32 @!p0 $0xFFFFF086;
	s6 =	sadd.s32 @!p0 s3, s7;
	s7 =	simm.s32 @!p0 $0x108  }
0x21: {  	s3 =	sadd.s32 s3, s9;
	s6 =	sadd.s32 @!p0 $0x88, s6;
	s7 =	simm.s32 @p2 $0x1082  }
0x22: {  	[simem:s7], [sflag:s8] =	dma.local @!p0 [hbm:s6], $0xF7A  }
0x23: {  	s9 =	sor.u32 $0xD0000000, s2;
	s6 =	simm.s32 $0x108;
	_ =	swait.ge @!p0 [sflag:s8], $0x0  }
0x24: {  	s3 =	sadd.s32 $0x88, s3;
	s6 =	simm.s32 @!p1 $0x1082;
	[sflag:s4] =	ssyncset.s32 $0xFFFFF086  }
0x25: {  	[simem:s6], [sflag:s4] =	dma.local [hbm:s3], $0xF7A  }
0x26: {  	[smem:$0x3F99] =	sst s1;
	(tag) =	ssettag s2;
	_ =	strace s9  }
0x27: {  	s1 =	sld [smem:$0x3FA9]  }
0x28: {  	s2 =	sld [smem:$0x3FAA]  }
0x29: {  	s4 =	sld [smem:$0x3FAC]  }
0x2a: {  	p0 =	seq.s32 s5, $0x0;
	s5 =	sld [smem:$0x3FAD]  }
0x2b: {  	s6 =	sld [smem:$0x3FAE]  }
0x2c: {  	s7 =	sld [smem:$0x3FAF]  }
0x2d: {  	s3 =	simm.s32 $0x108;
	s8 =	sld [smem:$0x3FB0]  }
0x2e: {  	s3 =	simm.s32 @!p0 $0x1082;
	s9 =	sld [smem:$0x3FB1]  }
0x2f: {  	lr =	sadd.s32 s0, s3;
	s0 =	sld [smem:$0x3FA8]  }
0x30: {  	s3 =	sld [smem:$0x3FAB]  }
0x31: {  	[smem:$0x3FB4] =	sst s10  }
0x32: {  	s10 =	sld [smem:$0x3FB2];
	_ =	sdelay $0x3  }
0x33: {  	p0 =	seq.s32 s10, $0x1;
	s10 =	sld [smem:$0x3FB4];
	_ =	sdelay $0x3  }
0x34: {  	[smem:$0x3FB4] =	sst s10  }
0x35: {  	s10 =	sld [smem:$0x3FB3];
	_ =	sdelay $0x3  }
0x36: {  	p1 =	seq.s32 s10, $0x1;
	s10 =	sld [smem:$0x3FB4];
	_ =	sdelay $0x3  }
0x37: {  	[smem:$0x3FB4] =	sst s10  }
0x38: {  	s10 =	sld [smem:$0x3FB5]  }
0x39: {  	_ = 	snop;
	(pc) =	sbr.ind lr, $3  }
0x3a: {  	_ = 	snop  }
0x3b: {  	_ = 	snop  }
0x3c: {  	p2 =	seq.s32 s10, $0x1;
	s10 =	sld [smem:$0x3FB4]  }
0x3d: {  	_ =	shalt  }
0x3e: {  	_ =	shalt  }
0x3f: {  	_ =	shalt  }
0x40: {  	_ =	shalt  }
0x41: {  	_ =	shalt  }
0x42: {  	_ =	shalt  }
0x43: {  	_ =	shalt  }
0x44: {  	_ =	shalt  }
0x45: {  	_ =	shalt  }
0x46: {  	_ =	shalt  }
0x47: {  	_ =	shalt  }
0x48: {  	_ =	shalt  }
0x49: {  	_ =	shalt  }
0x4a: {  	_ =	shalt  }
0x4b: {  	_ =	shalt  }
0x4c: {  	_ =	shalt  }
0x4d: {  	_ =	shalt  }
0x4e: {  	_ =	shalt  }
0x4f: {  	_ =	shalt  }
0x50: {  	_ =	shalt  }
0x51: {  	_ =	shalt  }
0x52: {  	_ =	shalt  }
0x53: {  	_ =	shalt  }
0x54: {  	_ =	shalt  }
0x55: {  	_ =	shalt  }
0x56: {  	_ =	shalt  }
0x57: {  	_ =	shalt  }
0x58: {  	_ =	shalt  }
0x59: {  	_ =	shalt  }
0x5a: {  	_ =	shalt  }
0x5b: {  	_ =	shalt  }
0x5c: {  	_ =	shalt  }
0x5d: {  	_ =	shalt  }
0x5e: {  	_ =	shalt  }
0x5f: {  	_ =	shalt  }
0x60: {  	_ =	shalt  }
0x61: {  	_ =	shalt  }
0x62: {  	_ =	shalt  }
0x63: {  	_ =	shalt  }
0x64: {  	_ =	shalt  }
0x65: {  	_ =	shalt  }
0x66: {  	_ =	shalt  }
0x67: {  	_ =	shalt  }
0x68: {  	_ =	shalt  }
0x69: {  	_ =	shalt  }
0x6a: {  	_ =	shalt  }
0x6b: {  	_ =	shalt  }
0x6c: {  	_ =	shalt  }
0x6d: {  	_ =	shalt  }
0x6e: {  	_ =	shalt  }
0x6f: {  	_ =	shalt  }
0x70: {  	_ =	shalt  }
0x71: {  	_ =	shalt  }
0x72: {  	_ =	shalt  }
0x73: {  	_ =	shalt  }
0x74: {  	_ =	shalt  }
0x75: {  	_ =	shalt  }
0x76: {  	_ =	shalt  }
0x77: {  	_ =	shalt  }
0x78: {  	_ =	shalt  }
0x79: {  	_ =	shalt  }
0x7a: {  	_ =	shalt  }
0x7b: {  	_ =	shalt  }
0x7c: {  	_ =	shalt  }
0x7d: {  	_ =	shalt  }
0x7e: {  	_ =	shalt  }
0x7f: {  	_ =	shalt  }
0x80: {  	_ =	shalt  }
0x81: {  	_ =	shalt  }
0x82: {  	_ =	shalt  }
0x83: {  	_ =	shalt  }
0x84: {  	_ =	shalt  }
0x85: {  	_ =	shalt  }
0x86: {  	_ =	shalt  }
0x87: {  	_ =	shalt  }
.Lfunc_end0:
.L_simem_size_0:
called_computation.1_lowered:
.L_overlay_start_0:
0x88: {  	s2 =	sld [smem:$0x3FD9]  }
0x89: {  	s3 =	sld [smem:$0x3FFE];
	_ =	sdelay $0x1  }
0x8a: {  	s1 =	srdreg.scid  }
0x8b: {  	s0 =	sand.u32 $0x1, s1  }
0x8c: {  	s16 =	sshll.u32 s0, $0xA;
	s2 =	sadd.s32 s3, s2  }
0x8d: {  	s2 =	sadd.s32 s2, s16  }
0x8e: {  	[smem:$0x3FC0] =	sst s2  }
0x8f: {  	_ = 	snop  }
0x90: {  	(tm) =	ssettm $0x1  }
0x91: {  	s17 =	sld [smem:$0x3FFB];
	_ =	sdelay $0x3  }
0x92: {  	_ =	strace s17  }
0x93: {  	s2 =	sld [smem:$0x3FFC];
	_ =	sdelay $0x3  }
0x94: {  	_ =	strace s2  }
0x95: {  	s2 =	sld [smem:$0x3FFD];
	_ =	sdelay $0x3  }
0x96: {  	_ =	strace s2  }
0x97: {  	_ =	strace $0x8FFFFFFF  }
0x98: {  	s18 =	sld [smem:$0x3FDB];
	_ =	sdelay $0x1  }
0x99: {  	s19 =	simm.s32 $_scs_section_size  }
0x9a: {  	s4 =	simm.s32 $_size__tile_overlayer_lowered;
	s5 =	simm.s32 $_tile_overlayer_lowered  }
0x9b: {  	s22 =	simm.s32 $0x1BFF;
	s21 =	sshll.u32 s5, $0x1;
	s2 =	sadd.s32 s19, s18  }
0x9c: {  	s6 =	simm.s32 $0x0;
	s20 =	sshll.u32 s4, $0x1;
	s4 =	sadd.s32 s21, s2  }
0x9d: {  	[timem:s6], [sflag:s22] =	dma.local [hbm:s4], s20  }
0x9e: {  	_ =	swait.ge [sflag:s22], s20  }
0x9f: {  	s3 =	ssub.s32 $0x0, s20;
	[sflag:s22] =	ssyncset.done $0x0  }
0xa0: {  	[sflag:s22] =	ssyncadd.s32 s3;
	_ =	sdelay $0x1  }
0xa1: {  	s23 =	simm.s32 $0x1B8B  }
0xa2: {  	_ =	swait.ge [sflag:s23], $0x1  }
0xa3: {  	[sflag:s23] =	ssyncset.done $0x0  }
0xa4: {  	s25 =	simm.s32 $0x1B8E;
	s24 =	sld [smem:$0x3FFE];
	[sflag:s23] =	ssyncadd.s32 $0xFFFFFFFF  }
0xa5: {  	s26 =	simm.s32 $execute0_lowered;
	[smem:$0x3FD2] =	sst s25  }
0xa6: {  	s4 =	sshll.u32 s26, $0x1;
	_ =	strace $0x80000049;
	[dreg:$0x1] =	wrdreg $0xFFFFFFFF  }
0xa7: {  	s28 =	simm.s32 $_size_execute0_lowered;
	s2 =	sadd.s32 s2, s4;
	[dreg:$0x0] =	wrdreg $0x0  }
0xa8: {  	s4 =	sshll.u32 s28, $0x1;
	[dreg:$0x2] =	wrdreg s2  }
0xa9: {  	[dreg:$0x3] =	wrdreg s4  }
0xaa: {  	[dreg:$0x4] =	wrdreg $0xC0  }
0xab: {  	_ =	task [dreg:s6], $0x5FFFF  }
0xac: {  	[dreg:$0x1] =	wrdreg $0xFFFFFFFF  }
0xad: {  	[dreg:$0x0] =	wrdreg $0x60  }
0xae: {  	[dreg:$0x2] =	wrdreg s24  }
0xaf: {  	[dreg:$0x3] =	wrdreg $0x90000  }
0xb0: {  	[dreg:$0x4] =	wrdreg $0x9  }
0xb1: {  	_ =	task.clear_ibuf [dreg:s6], $0x5FFFF;
	_ =	strace $0x90000049  }
0xb2: {  	s29 =	simm.s32 $0x9;
	_ =	strace $0x8000004B  }
0xb3: {  	_ =	swait.ge [sflag:s29], $0x1  }
0xb4: {  	[sflag:s29] =	ssyncadd.s32 $0xFFFFFFFF  }
0xb5: {  	_ =	strace $0x9000004B  }
0xb6: {  	_ =	sfence  }
0xb7: {  	s30 =	sld [smem:$0x0];
	_ =	sdelay $0x2  }
0xb8: {  	s31 =	sshll.u32 s1, $0xD;
	s1 =	sshrl.u32 s1, $0x2  }
0xb9: {  	s3 =	sand.u32 $0x4000, s31;
	s1 =	sadd.s32 s1, s30  }
0xba: {  	s0 =	sor.u32 s3, s0;
	s1 =	sshll.u32 s1, $0x11  }
0xbb: {  	s0 =	sor.u32 s1, s0  }
0xbc: {  	s0 =	sadd.s32 $0x8F2B, s0  }
0xbd: {  	[sflag:s0] =	ssyncadd.remote.s32 $0x1  }
0xbe: {  	_ =	sfence.sel $0xFFFF  }
0xbf: {  	[dreg:$0x0] =	wrdreg $0xFFFFFFFF;
	(pc) =	sbr.abs _section_cstart, $3  }
0xc0: {  	[dreg:$0x1] =	wrdreg $0xFFFFFFFF  }
0xc1: {  	_ =	task.clear_ibuf [dreg:s6], $0x2FFFF;
	_ =	strace $0x9FFFFFFF  }
0xc2: {  	(tm) =	ssettm $0x7FFFFFFF  }
0xc3: {  	_ =	shalt  }
tec
execute0_lowered:
.L_overlay_start_1:
0x0: {  	(tag) =	ssettag $0x1  }
0x1: {  	s0 =	srdreg.scid;
	s6 =	rddreg [dreg:$0x0]  }
0x2: {  	s2 =	rddreg [dreg:$0x1];
	s3 =	simm.s32 $0x0;
	s14 =	simm.s32 $0x80  }
0x3: {  	s15 =	simm.s32 $0x5000;
	s5 =	sand.u32 $0x1, s0;
	s0 =	stileid.u32  }
0x4: {  	s16 =	simm.s32 $0x1;
	s17 =	simm.s32 $0x0;
	s8 =	smul.u32 $0x14000, s0  }
0x5: {  	[smem:$0x7FF] =	sst s3;
	s1 =	sshll.u32 s5, $0x4;
	s9 =	smul.u32 $0x140000, s5  }
0x6: {  	s5 =	ssub.s32 $0x2, s5;
	s29 =	smul.u32 $0x50000, s0;
	s31 =	sshll.u32 s0, $0x6  }
0x7: {  	s4 =	sor.u32 s0, s1;
	s1 =	rddreg [dreg:$0x2];
	_ =	strace $0x8000004A  }
0x8: {  	s11 =	sshrl.u32 s5, $0x1;
	s7 =	smul.u32 $0x500, s4;
	s4 =	sadd.s32 $0x17400, s6  }
0x9: {  	s28 =	sshrl.u32 s8, $0x3;
	s8 =	sadd.s32 s8, s9;
	s30 =	sshrl.u32 s29, $0x2  }
0xa: {  	s11 =	ssub.s32 s5, s11;
	s8 =	sshrl.u32 s8, $0x3;
	s13 =	sadd.s32 s30, s2  }
0xb: {  	s10 =	sadd.s32 s7, s6;
	s7 =	sadd.s32 s28, s6;
	s12 =	sadd.s32 s8, s6  }
0xc: {  	s6 =	sor.u32 $0x1C02, s31;
	s5 =	sadd.s32 $0x3F400, s7;
	s7 =	sadd.s32 $0xD400, s10  }
0xd: {  	s8 =	sadd.s32 $0x2400, s10;
	s9 =	sadd.s32 $0x67400, s12;
	s10 =	smax.u32 s11, $0x1  }
0xe: {  	s11 =	sshrl.u32 s13, $0x3;
	s12 =	simm.s32 $0x2;
	s13 =	simm.s32 $0x2800  }
.LBB2_1:
0xf: {  	[spmem:s11], [sflag:s6] =	dma.local [hbm:s5], $0x2800  }
0x10: {  	_ =	swait.ge [sflag:s12], $0x2800  }
0x11: {  	[sflag:s12] =	ssyncset.done $0x0  }
0x12: {  	[sflag:s12] =	ssyncadd.s32 $0xFFFFD800  }
0x13: {  	[bflag:$0x0] =	sbarrier.arrive $0xFFFF  }
0x14: {  	[tilespmem:s3], [sflag:$0x2] =	stream.linear.gather [hbm4b:s7+s3], $0x2780, $0x38;
	[tilespmem:$0x1D000] =	vst v63  }
0x15: {  	_ =	swait.ge [sflag:s12], $0x2780  }
0x16: {  	[sflag:s12] =	ssyncset.done $0x0  }
0x17: {  	[sflag:s12] =	ssyncadd.s32 $0xFFFFD880  }
0x18: {  	[tilespmem:s13], [sflag:$0x2] =	stream.linear.gather [hbm4b:s8+s3], $0x2780, $0x38;
	[tilespmem:$0x1D000] =	vst v63  }
0x19: {  	_ =	swait.ge [sflag:s12], $0x2780  }
0x1a: {  	[sflag:s12] =	ssyncset.done $0x0  }
0x1b: {  	s18 =	simm.s32 $0x0;
	[sflag:s12] =	ssyncadd.s32 $0xFFFFD880  }
0x1c: {  	[tilespmem:s15], [sflag:$0x1] =	stream.indirect.gather [hbm4b:s4+s14], $0x80, s18, s14, $0xb8;
	[tilespmem:$0x1D000] =	vst v63  }
0x1d: {  	_ =	swait.ge [sflag:s16], $0x4000  }
0x1e: {  	[sflag:s16] =	ssyncset.done $0x0  }
0x1f: {  	s31 =	simm.s32 $0x2800;
	[sflag:s16] =	ssyncadd.s32 $0xFFFFC000  }
0x20: {  	[spmem:s2] =	stream.indirect.scatter.add.f32 [tilespmem:s15], [sflag:$0x2], $0x80, s31, s14, $0xb8;
	[tilespmem:$0x1D000] =	vst v63  }
0x21: {  	_ =	swait.ge [sflag:s12], $0x4000  }
0x22: {  	s19 =	simm.s32 $0x400;
	s18 =	simm.s32 $0x200;
	[sflag:s12] =	ssyncset.done $0x0  }
.LBB2_2:
0x23: {  	s20 =	sshra.s32 s18, $0x2  }
0x24: {  	[sflag:s12] =	ssyncadd.s32 $0xFFFFC000;
	s18 =	smov.u32 s19;
	s21 =	sadd.s32 $0x200, s19  }
0x25: {  	[tilespmem:s15], [sflag:$0x1] =	stream.indirect.gather [hbm4b:s4+s14], $0x80, s20, s14, $0xb8;
	[tilespmem:$0x1D000] =	vst v63  }
0x26: {  	p0 =	sne.s32 s19, $0x9C00;
	_ =	swait.ge [sflag:s16], $0x4000  }
.Ltmp0:
0x27: {  	[sflag:s16] =	ssyncset.done $0x0;
	(pc) =	sbr.rel @p0 .LBB2_2-.Ltmp0, $4  }
0x28: {  	s19 =	sadd.s32 $0x2800, s20;
	[sflag:s16] =	ssyncadd.s32 $0xFFFFC000  }
0x29: {  	[spmem:s2] =	stream.indirect.scatter.add.f32 [tilespmem:s15], [sflag:$0x2], $0x80, s19, s14, $0xb8;
	[tilespmem:$0x1D000] =	vst v63  }
0x2a: {  	_ =	swait.ge [sflag:s12], $0x4000  }
0x2b: {  	s19 =	smov.u32 s21;
	[sflag:s12] =	ssyncset.done $0x0  }
0x2c: {  	s18 =	sshra.s32 s18, $0x2;
	[sflag:s12] =	ssyncadd.s32 $0xFFFFC000  }
0x2d: {  	[tilespmem:s15], [sflag:$0x1] =	stream.indirect.gather [hbm4b:s4+s14], $0x80, s18, s14, $0xb8;
	[tilespmem:$0x1D000] =	vst v63  }
0x2e: {  	_ =	swait.ge [sflag:s16], $0x4000  }
0x2f: {  	[sflag:s16] =	ssyncset.done $0x0  }
0x30: {  	s18 =	sadd.s32 $0x2800, s18;
	[sflag:s16] =	ssyncadd.s32 $0xFFFFC000  }
0x31: {  	[spmem:s2] =	stream.indirect.scatter.add.f32 [tilespmem:s15], [sflag:$0x2], $0x80, s18, s14, $0xb8;
	[tilespmem:$0x1D000] =	vst v63  }
0x32: {  	_ =	swait.ge [sflag:s12], $0x4000  }
0x33: {  	s17 =	sadd.s32 $0x1, s17;
	[sflag:s12] =	ssyncset.done $0x0  }
0x34: {  	p0 =	sne.s32 s17, s10;
	[sflag:s12] =	ssyncadd.s32 $0xFFFFC000  }
.Ltmp1:
0x35: {  	[bflag:$0x0] =	sbarrier.arrive $0xFFFF;
	(pc) =	sbr.rel @p0 .LBB2_1-.Ltmp1, $4  }
0x36: {  	[hbm:s9], [sflag:s6] =	dma.local [spmem:s11], $0x2800  }
0x37: {  	_ =	swait.ge [sflag:s12], $0x2800  }
0x38: {  	[sflag:s12] =	ssyncset.done $0x0  }
0x39: {  	[sflag:s12] =	ssyncadd.s32 $0xFFFFD800  }
0x3a: {  	_ =	sfence.sel $0x180000  }
0x3b: {  	[bflag:$0x0] =	sbarrier.arrive $0xFFFF  }
0x3c: {  	p0 =	sne.s32 s0, $0x0;
	_ =	strace $0x9000004A  }
0x3d: {  	s0 =	sadd.s32 @!p0 $0x100000, s1;
	[bflag:$0x2] =	sbarrier.arrive $0xFFFF  }
0x3e: {  	[sflag:s0] =	ssyncadd.tile.s32 @!p0 $0x1;
	_ =	shalt  }
.Lfunc_end2:
_tile_overlayer_lowered:
.L_overlay_start_2:
0x3f: {  	(tag) =	ssettag $0x2  }
0x40: {  	s0 =	rddreg [dreg:$0x0];
	s2 =	stileid.u32  }
0x41: {  	s1 =	rddreg [dreg:$0x1];
	p0 =	sne.s32 s2, $0x0  }
0x42: {  	s3 =	rddreg [dreg:$0x2];
	[bflag:$0x3] =	sbarrier.arrive $0xFFFF;
	s2 =	simm.s32 @!p0 $0x1C02  }
0x43: {  	[timem:s3], [sflag:s2] =	dma.local @!p0 [hbm:s0], s1  }
0x44: {  	s0 =	simm.s32 @!p0 $0x2  }
0x45: {  	_ =	swait.ge @!p0 [sflag:s0], s1  }
0x46: {  	s1 =	ssub.s32 @!p0 $0x0, s1;
	[sflag:s0] =	ssyncset.done @!p0 $0x0  }
0x47: {  	[sflag:s0] =	ssyncadd.s32 @!p0 s1  }
0x48: {  	[bflag:$0x3] =	sbarrier.arrive $0xFFFF  }
0x49: {  	_ =	shalt  }

// kernel: kernel.16.cloned.1.call-start
scs
__scs_entry_jumppad:
0x0: {  	(pc) =	sbr.rel $0x88, $3  }
0x1: {  	(tag) =	ssettag $0x0;
	lr =	simm.s32 $0x1  }
0x2: {  	[smem:$0x3F99] =	sst lr;
	_ =	strace $0xD0000000  }
0x3: {  	_ = 	snop  }
0x4: {  	_ = 	snop  }
0x5: {  	_ = 	snop  }
0x6: {  	_ = 	snop  }
0x7: {  	_ = 	snop  }
__scs_overlays_trampoline_lowered:
0x8: {  	[smem:$0x3FA8] =	sst s0  }
0x9: {  	[smem:$0x3FA9] =	sst s1  }
0xa: {  	[smem:$0x3FAA] =	sst s2  }
0xb: {  	[smem:$0x3FAB] =	sst s3  }
0xc: {  	[smem:$0x3FAC] =	sst s4  }
0xd: {  	[smem:$0x3FAD] =	sst s5  }
0xe: {  	[smem:$0x3FAE] =	sst s6  }
0xf: {  	[smem:$0x3FAF] =	sst s7  }
0x10: {  	[smem:$0x3FB0] =	sst s8  }
0x11: {  	[smem:$0x3FB1] =	sst s9;
	s0 =	simm.s32 @!p0 $0x0  }
0x12: {  	s1 =	sld [smem:$0x3F97];
	s0 =	simm.s32 @p0 $0x1  }
0x13: {  	[smem:$0x3FB2] =	sst s0;
	s0 =	simm.s32 @!p1 $0x0  }
0x14: {  	s2 =	sld [smem:$0x3F96];
	s0 =	simm.s32 @p1 $0x1  }
0x15: {  	[smem:$0x3FB3] =	sst s0;
	s0 =	simm.s32 @!p2 $0x0  }
0x16: {  	s3 =	sld [smem:$0x3FDB];
	s0 =	simm.s32 @p2 $0x1  }
0x17: {  	s4 =	simm.s32 $0x1BF5;
	[smem:$0x3FB5] =	sst s0  }
0x18: {  	s0 =	sld [smem:$0x3F98];
	_ =	swait.ge [sflag:s4], $0x0  }
0x19: {  	s7 =	sld [smem:$0x3F99]  }
0x1a: {  	s8 =	sadd.s32 $0xFFFFE003, lr  }
0x1b: {  	s9 =	sadd.s32 $0xFFFFFEF7, lr;
	s5 =	simm.s32 $0xFFFFFFFF;
	p2 =	slt.u32 s8, $0xFFFFF086  }
0x1c: {  	p1 =	slt.u32 s9, $0xF7A;
	s5 =	simm.s32 @!p2 $0x0  }
0x1d: {  	s5 =	simm.s32 @p1 $0x1;
	p0 =	seq.s32 s7, s2  }
0x1e: {  	s7 =	smul.u32 @!p0 $0xF7A, s2;
	p2 =	seq.s32 @!p0 s5, $0x0  }
0x1f: {  	s9 =	smul.u32 $0xF7A, s1;
	s8 =	simm.s32 @!p0 $0x1BF5;
	p2 =	por !p2, p0  }
0x20: {  	[sflag:s8] =	ssyncset.s32 @!p0 $0xFFFFF086;
	s6 =	sadd.s32 @!p0 s3, s7;
	s7 =	simm.s32 @!p0 $0x108  }
0x21: {  	s3 =	sadd.s32 s3, s9;
	s6 =	sadd.s32 @!p0 $0x88, s6;
	s7 =	simm.s32 @p2 $0x1082  }
0x22: {  	[simem:s7], [sflag:s8] =	dma.local @!p0 [hbm:s6], $0xF7A  }
0x23: {  	s9 =	sor.u32 $0xD0000000, s2;
	s6 =	simm.s32 $0x108;
	_ =	swait.ge @!p0 [sflag:s8], $0x0  }
0x24: {  	s3 =	sadd.s32 $0x88, s3;
	s6 =	simm.s32 @!p1 $0x1082;
	[sflag:s4] =	ssyncset.s32 $0xFFFFF086  }
0x25: {  	[simem:s6], [sflag:s4] =	dma.local [hbm:s3], $0xF7A  }
0x26: {  	[smem:$0x3F99] =	sst s1;
	(tag) =	ssettag s2;
	_ =	strace s9  }
0x27: {  	s1 =	sld [smem:$0x3FA9]  }
0x28: {  	s2 =	sld [smem:$0x3FAA]  }
0x29: {  	s4 =	sld [smem:$0x3FAC]  }
0x2a: {  	p0 =	seq.s32 s5, $0x0;
	s5 =	sld [smem:$0x3FAD]  }
0x2b: {  	s6 =	sld [smem:$0x3FAE]  }
0x2c: {  	s7 =	sld [smem:$0x3FAF]  }
0x2d: {  	s3 =	simm.s32 $0x108;
	s8 =	sld [smem:$0x3FB0]  }
0x2e: {  	s3 =	simm.s32 @!p0 $0x1082;
	s9 =	sld [smem:$0x3FB1]  }
0x2f: {  	lr =	sadd.s32 s0, s3;
	s0 =	sld [smem:$0x3FA8]  }
0x30: {  	s3 =	sld [smem:$0x3FAB]  }
0x31: {  	[smem:$0x3FB4] =	sst s10  }
0x32: {  	s10 =	sld [smem:$0x3FB2];
	_ =	sdelay $0x3  }
0x33: {  	p0 =	seq.s32 s10, $0x1;
	s10 =	sld [smem:$0x3FB4];
	_ =	sdelay $0x3  }
0x34: {  	[smem:$0x3FB4] =	sst s10  }
0x35: {  	s10 =	sld [smem:$0x3FB3];
	_ =	sdelay $0x3  }
0x36: {  	p1 =	seq.s32 s10, $0x1;
	s10 =	sld [smem:$0x3FB4];
	_ =	sdelay $0x3  }
0x37: {  	[smem:$0x3FB4] =	sst s10  }
0x38: {  	s10 =	sld [smem:$0x3FB5]  }
0x39: {  	_ = 	snop;
	(pc) =	sbr.ind lr, $3  }
0x3a: {  	_ = 	snop  }
0x3b: {  	_ = 	snop  }
0x3c: {  	p2 =	seq.s32 s10, $0x1;
	s10 =	sld [smem:$0x3FB4]  }
0x3d: {  	_ =	shalt  }
0x3e: {  	_ =	shalt  }
0x3f: {  	_ =	shalt  }
0x40: {  	_ =	shalt  }
0x41: {  	_ =	shalt  }
0x42: {  	_ =	shalt  }
0x43: {  	_ =	shalt  }
0x44: {  	_ =	shalt  }
0x45: {  	_ =	shalt  }
0x46: {  	_ =	shalt  }
0x47: {  	_ =	shalt  }
0x48: {  	_ =	shalt  }
0x49: {  	_ =	shalt  }
0x4a: {  	_ =	shalt  }
0x4b: {  	_ =	shalt  }
0x4c: {  	_ =	shalt  }
0x4d: {  	_ =	shalt  }
0x4e: {  	_ =	shalt  }
0x4f: {  	_ =	shalt  }
0x50: {  	_ =	shalt  }
0x51: {  	_ =	shalt  }
0x52: {  	_ =	shalt  }
0x53: {  	_ =	shalt  }
0x54: {  	_ =	shalt  }
0x55: {  	_ =	shalt  }
0x56: {  	_ =	shalt  }
0x57: {  	_ =	shalt  }
0x58: {  	_ =	shalt  }
0x59: {  	_ =	shalt  }
0x5a: {  	_ =	shalt  }
0x5b: {  	_ =	shalt  }
0x5c: {  	_ =	shalt  }
0x5d: {  	_ =	shalt  }
0x5e: {  	_ =	shalt  }
0x5f: {  	_ =	shalt  }
0x60: {  	_ =	shalt  }
0x61: {  	_ =	shalt  }
0x62: {  	_ =	shalt  }
0x63: {  	_ =	shalt  }
0x64: {  	_ =	shalt  }
0x65: {  	_ =	shalt  }
0x66: {  	_ =	shalt  }
0x67: {  	_ =	shalt  }
0x68: {  	_ =	shalt  }
0x69: {  	_ =	shalt  }
0x6a: {  	_ =	shalt  }
0x6b: {  	_ =	shalt  }
0x6c: {  	_ =	shalt  }
0x6d: {  	_ =	shalt  }
0x6e: {  	_ =	shalt  }
0x6f: {  	_ =	shalt  }
0x70: {  	_ =	shalt  }
0x71: {  	_ =	shalt  }
0x72: {  	_ =	shalt  }
0x73: {  	_ =	shalt  }
0x74: {  	_ =	shalt  }
0x75: {  	_ =	shalt  }
0x76: {  	_ =	shalt  }
0x77: {  	_ =	shalt  }
0x78: {  	_ =	shalt  }
0x79: {  	_ =	shalt  }
0x7a: {  	_ =	shalt  }
0x7b: {  	_ =	shalt  }
0x7c: {  	_ =	shalt  }
0x7d: {  	_ =	shalt  }
0x7e: {  	_ =	shalt  }
0x7f: {  	_ =	shalt  }
0x80: {  	_ =	shalt  }
0x81: {  	_ =	shalt  }
0x82: {  	_ =	shalt  }
0x83: {  	_ =	shalt  }
0x84: {  	_ =	shalt  }
0x85: {  	_ =	shalt  }
0x86: {  	_ =	shalt  }
0x87: {  	_ =	shalt  }
.Lfunc_end0:
.L_simem_size_0:
called_computation.2_lowered:
.L_overlay_start_0:
0x88: {  	s2 =	sld [smem:$0x3FD9]  }
0x89: {  	s3 =	sld [smem:$0x3FFE];
	_ =	sdelay $0x1  }
0x8a: {  	s1 =	srdreg.scid  }
0x8b: {  	s0 =	sand.u32 $0x1, s1  }
0x8c: {  	s16 =	sshll.u32 s0, $0xA;
	s2 =	sadd.s32 s3, s2  }
0x8d: {  	s2 =	sadd.s32 s2, s16  }
0x8e: {  	[smem:$0x3FC0] =	sst s2  }
0x8f: {  	_ = 	snop  }
0x90: {  	(tm) =	ssettm $0x1  }
0x91: {  	s17 =	sld [smem:$0x3FFB];
	_ =	sdelay $0x3  }
0x92: {  	_ =	strace s17  }
0x93: {  	s2 =	sld [smem:$0x3FFC];
	_ =	sdelay $0x3  }
0x94: {  	_ =	strace s2  }
0x95: {  	s2 =	sld [smem:$0x3FFD];
	_ =	sdelay $0x3  }
0x96: {  	_ =	strace s2  }
0x97: {  	_ =	strace $0x8FFFFFFF  }
0x98: {  	s18 =	sld [smem:$0x3FDB];
	_ =	sdelay $0x1  }
0x99: {  	s19 =	simm.s32 $_scs_section_size  }
0x9a: {  	s4 =	simm.s32 $_size__tile_overlayer_lowered;
	s5 =	simm.s32 $_tile_overlayer_lowered  }
0x9b: {  	s22 =	simm.s32 $0x1BFF;
	s21 =	sshll.u32 s5, $0x1;
	s2 =	sadd.s32 s19, s18  }
0x9c: {  	s6 =	simm.s32 $0x0;
	s20 =	sshll.u32 s4, $0x1;
	s4 =	sadd.s32 s21, s2  }
0x9d: {  	[timem:s6], [sflag:s22] =	dma.local [hbm:s4], s20  }
0x9e: {  	_ =	swait.ge [sflag:s22], s20  }
0x9f: {  	s3 =	ssub.s32 $0x0, s20;
	[sflag:s22] =	ssyncset.done $0x0  }
0xa0: {  	[sflag:s22] =	ssyncadd.s32 s3;
	_ =	sdelay $0x1  }
0xa1: {  	s23 =	simm.s32 $0x1B8B  }
0xa2: {  	_ =	swait.ge [sflag:s23], $0x1  }
0xa3: {  	[sflag:s23] =	ssyncset.done $0x0  }
0xa4: {  	s25 =	simm.s32 $0x1B8E;
	s24 =	sld [smem:$0x3FFE];
	[sflag:s23] =	ssyncadd.s32 $0xFFFFFFFF  }
0xa5: {  	s26 =	simm.s32 $execute0_lowered;
	[smem:$0x3FD2] =	sst s25  }
0xa6: {  	s4 =	sshll.u32 s26, $0x1;
	_ =	strace $0x8000004C;
	[dreg:$0x1] =	wrdreg $0xFFFFFFFF  }
0xa7: {  	s28 =	simm.s32 $_size_execute0_lowered;
	s2 =	sadd.s32 s2, s4;
	[dreg:$0x0] =	wrdreg $0x0  }
0xa8: {  	s4 =	sshll.u32 s28, $0x1;
	[dreg:$0x2] =	wrdreg s2  }
0xa9: {  	[dreg:$0x3] =	wrdreg s4  }
0xaa: {  	[dreg:$0x4] =	wrdreg $0xC0  }
0xab: {  	_ =	task [dreg:s6], $0x5FFFF  }
0xac: {  	[dreg:$0x1] =	wrdreg $0xFFFFFFFF  }
0xad: {  	[dreg:$0x0] =	wrdreg $0x60  }
0xae: {  	[dreg:$0x2] =	wrdreg s24  }
0xaf: {  	[dreg:$0x3] =	wrdreg $0x90000  }
0xb0: {  	[dreg:$0x4] =	wrdreg $0x9  }
0xb1: {  	_ =	task.clear_ibuf [dreg:s6], $0x5FFFF;
	_ =	strace $0x9000004C  }
0xb2: {  	s29 =	simm.s32 $0x9;
	_ =	strace $0x8000004E  }
0xb3: {  	_ =	swait.ge [sflag:s29], $0x1  }
0xb4: {  	[sflag:s29] =	ssyncadd.s32 $0xFFFFFFFF  }
0xb5: {  	_ =	strace $0x9000004E  }
0xb6: {  	_ =	sfence  }
0xb7: {  	s30 =	sld [smem:$0x0];
	_ =	sdelay $0x2  }
0xb8: {  	s31 =	sshll.u32 s1, $0xD;
	s1 =	sshrl.u32 s1, $0x2  }
0xb9: {  	s3 =	sand.u32 $0x4000, s31;
	s1 =	sadd.s32 s1, s30  }
0xba: {  	s0 =	sor.u32 s3, s0;
	s1 =	sshll.u32 s1, $0x11  }
0xbb: {  	s0 =	sor.u32 s1, s0  }
0xbc: {  	s0 =	sadd.s32 $0x8F2B, s0  }
0xbd: {  	[sflag:s0] =	ssyncadd.remote.s32 $0x1  }
0xbe: {  	_ =	sfence.sel $0xFFFF  }
0xbf: {  	[dreg:$0x0] =	wrdreg $0xFFFFFFFF;
	(pc) =	sbr.abs _section_cstart, $3  }
0xc0: {  	[dreg:$0x1] =	wrdreg $0xFFFFFFFF  }
0xc1: {  	_ =	task.clear_ibuf [dreg:s6], $0x2FFFF;
	_ =	strace $0x9FFFFFFF  }
0xc2: {  	(tm) =	ssettm $0x7FFFFFFF  }
0xc3: {  	_ =	shalt  }
tec
execute0_lowered:
.L_overlay_start_1:
0x0: {  	(tag) =	ssettag $0x1  }
0x1: {  	s0 =	srdreg.scid;
	s6 =	rddreg [dreg:$0x0]  }
0x2: {  	s2 =	rddreg [dreg:$0x1];
	s3 =	simm.s32 $0x0;
	s14 =	simm.s32 $0x80  }
0x3: {  	s15 =	simm.s32 $0x5000;
	s5 =	sand.u32 $0x1, s0;
	s0 =	stileid.u32  }
0x4: {  	s16 =	simm.s32 $0x1;
	s17 =	simm.s32 $0x0;
	s8 =	smul.u32 $0x14000, s0  }
0x5: {  	[smem:$0x7FF] =	sst s3;
	s1 =	sshll.u32 s5, $0x4;
	s9 =	smul.u32 $0x140000, s5  }
0x6: {  	s5 =	ssub.s32 $0x2, s5;
	s29 =	smul.u32 $0x50000, s0;
	s31 =	sshll.u32 s0, $0x6  }
0x7: {  	s4 =	sor.u32 s0, s1;
	s1 =	rddreg [dreg:$0x2];
	_ =	strace $0x8000004D  }
0x8: {  	s11 =	sshrl.u32 s5, $0x1;
	s7 =	smul.u32 $0x500, s4;
	s4 =	sadd.s32 $0x17400, s6  }
0x9: {  	s28 =	sshrl.u32 s8, $0x3;
	s8 =	sadd.s32 s8, s9;
	s30 =	sshrl.u32 s29, $0x2  }
0xa: {  	s11 =	ssub.s32 s5, s11;
	s8 =	sshrl.u32 s8, $0x3;
	s13 =	sadd.s32 s30, s2  }
0xb: {  	s10 =	sadd.s32 s7, s6;
	s7 =	sadd.s32 s28, s6;
	s12 =	sadd.s32 s8, s6  }
0xc: {  	s6 =	sor.u32 $0x1C02, s31;
	s5 =	sadd.s32 $0x3F400, s7;
	s7 =	sadd.s32 $0xD400, s10  }
0xd: {  	s8 =	sadd.s32 $0x2400, s10;
	s9 =	sadd.s32 $0x67400, s12;
	s10 =	smax.u32 s11, $0x1  }
0xe: {  	s11 =	sshrl.u32 s13, $0x3;
	s12 =	simm.s32 $0x2;
	s13 =	simm.s32 $0x2800  }
.LBB2_1:
0xf: {  	[spmem:s11], [sflag:s6] =	dma.local [hbm:s5], $0x2800  }
0x10: {  	_ =	swait.ge [sflag:s12], $0x2800  }
0x11: {  	[sflag:s12] =	ssyncset.done $0x0  }
0x12: {  	[sflag:s12] =	ssyncadd.s32 $0xFFFFD800  }
0x13: {  	[bflag:$0x0] =	sbarrier.arrive $0xFFFF  }
0x14: {  	[tilespmem:s3], [sflag:$0x2] =	stream.linear.gather [hbm4b:s7+s3], $0x2780, $0x38;
	[tilespmem:$0x1D000] =	vst v63  }
0x15: {  	_ =	swait.ge [sflag:s12], $0x2780  }
0x16: {  	[sflag:s12] =	ssyncset.done $0x0  }
0x17: {  	[sflag:s12] =	ssyncadd.s32 $0xFFFFD880  }
0x18: {  	[tilespmem:s13], [sflag:$0x2] =	stream.linear.gather [hbm4b:s8+s3], $0x2780, $0x38;
	[tilespmem:$0x1D000] =	vst v63  }
0x19: {  	_ =	swait.ge [sflag:s12], $0x2780  }
0x1a: {  	[sflag:s12] =	ssyncset.done $0x0  }
0x1b: {  	s18 =	simm.s32 $0x0;
	[sflag:s12] =	ssyncadd.s32 $0xFFFFD880  }
0x1c: {  	[tilespmem:s15], [sflag:$0x1] =	stream.indirect.gather [hbm4b:s4+s14], $0x80, s18, s14, $0xb8;
	[tilespmem:$0x1D000] =	vst v63  }
0x1d: {  	_ =	swait.ge [sflag:s16], $0x4000  }
0x1e: {  	[sflag:s16] =	ssyncset.done $0x0  }
0x1f: {  	s31 =	simm.s32 $0x2800;
	[sflag:s16] =	ssyncadd.s32 $0xFFFFC000  }
0x20: {  	[spmem:s2] =	stream.indirect.scatter.add.f32 [tilespmem:s15], [sflag:$0x2], $0x80, s31, s14, $0xb8;
	[tilespmem:$0x1D000] =	vst v63  }
0x21: {  	_ =	swait.ge [sflag:s12], $0x4000  }
0x22: {  	s19 =	simm.s32 $0x400;
	s18 =	simm.s32 $0x200;
	[sflag:s12] =	ssyncset.done $0x0  }
.LBB2_2:
0x23: {  	s20 =	sshra.s32 s18, $0x2  }
0x24: {  	[sflag:s12] =	ssyncadd.s32 $0xFFFFC000;
	s18 =	smov.u32 s19;
	s21 =	sadd.s32 $0x200, s19  }
0x25: {  	[tilespmem:s15], [sflag:$0x1] =	stream.indirect.gather [hbm4b:s4+s14], $0x80, s20, s14, $0xb8;
	[tilespmem:$0x1D000] =	vst v63  }
0x26: {  	p0 =	sne.s32 s19, $0x9C00;
	_ =	swait.ge [sflag:s16], $0x4000  }
.Ltmp0:
0x27: {  	[sflag:s16] =	ssyncset.done $0x0;
	(pc) =	sbr.rel @p0 .LBB2_2-.Ltmp0, $4  }
0x28: {  	s19 =	sadd.s32 $0x2800, s20;
	[sflag:s16] =	ssyncadd.s32 $0xFFFFC000  }
0x29: {  	[spmem:s2] =	stream.indirect.scatter.add.f32 [tilespmem:s15], [sflag:$0x2], $0x80, s19, s14, $0xb8;
	[tilespmem:$0x1D000] =	vst v63  }
0x2a: {  	_ =	swait.ge [sflag:s12], $0x4000  }
0x2b: {  	s19 =	smov.u32 s21;
	[sflag:s12] =	ssyncset.done $0x0  }
0x2c: {  	s18 =	sshra.s32 s18, $0x2;
	[sflag:s12] =	ssyncadd.s32 $0xFFFFC000  }
0x2d: {  	[tilespmem:s15], [sflag:$0x1] =	stream.indirect.gather [hbm4b:s4+s14], $0x80, s18, s14, $0xb8;
	[tilespmem:$0x1D000] =	vst v63  }
0x2e: {  	_ =	swait.ge [sflag:s16], $0x4000  }
0x2f: {  	[sflag:s16] =	ssyncset.done $0x0  }
0x30: {  	s18 =	sadd.s32 $0x2800, s18;
	[sflag:s16] =	ssyncadd.s32 $0xFFFFC000  }
0x31: {  	[spmem:s2] =	stream.indirect.scatter.add.f32 [tilespmem:s15], [sflag:$0x2], $0x80, s18, s14, $0xb8;
	[tilespmem:$0x1D000] =	vst v63  }
0x32: {  	_ =	swait.ge [sflag:s12], $0x4000  }
0x33: {  	s17 =	sadd.s32 $0x1, s17;
	[sflag:s12] =	ssyncset.done $0x0  }
0x34: {  	p0 =	sne.s32 s17, s10;
	[sflag:s12] =	ssyncadd.s32 $0xFFFFC000  }
.Ltmp1:
0x35: {  	[bflag:$0x0] =	sbarrier.arrive $0xFFFF;
	(pc) =	sbr.rel @p0 .LBB2_1-.Ltmp1, $4  }
0x36: {  	[hbm:s9], [sflag:s6] =	dma.local [spmem:s11], $0x2800  }
0x37: {  	_ =	swait.ge [sflag:s12], $0x2800  }
0x38: {  	[sflag:s12] =	ssyncset.done $0x0  }
0x39: {  	[sflag:s12] =	ssyncadd.s32 $0xFFFFD800  }
0x3a: {  	_ =	sfence.sel $0x180000  }
0x3b: {  	[bflag:$0x0] =	sbarrier.arrive $0xFFFF  }
0x3c: {  	p0 =	sne.s32 s0, $0x0;
	_ =	strace $0x9000004D  }
0x3d: {  	s0 =	sadd.s32 @!p0 $0x100000, s1;
	[bflag:$0x2] =	sbarrier.arrive $0xFFFF  }
0x3e: {  	[sflag:s0] =	ssyncadd.tile.s32 @!p0 $0x1;
	_ =	shalt  }
.Lfunc_end2:
_tile_overlayer_lowered:
.L_overlay_start_2:
0x3f: {  	(tag) =	ssettag $0x2  }
0x40: {  	s0 =	rddreg [dreg:$0x0];
	s2 =	stileid.u32  }
0x41: {  	s1 =	rddreg [dreg:$0x1];
	p0 =	sne.s32 s2, $0x0  }
0x42: {  	s3 =	rddreg [dreg:$0x2];
	[bflag:$0x3] =	sbarrier.arrive $0xFFFF;
	s2 =	simm.s32 @!p0 $0x1C02  }
0x43: {  	[timem:s3], [sflag:s2] =	dma.local @!p0 [hbm:s0], s1  }
0x44: {  	s0 =	simm.s32 @!p0 $0x2  }
0x45: {  	_ =	swait.ge @!p0 [sflag:s0], s1  }
0x46: {  	s1 =	ssub.s32 @!p0 $0x0, s1;
	[sflag:s0] =	ssyncset.done @!p0 $0x0  }
0x47: {  	[sflag:s0] =	ssyncadd.s32 @!p0 s1  }
0x48: {  	[bflag:$0x3] =	sbarrier.arrive $0xFFFF  }
0x49: {  	_ =	shalt  }

// kernel: kernel.19.cloned.1.call-start
scs
__scs_entry_jumppad:
0x0: {  	(pc) =	sbr.rel $0x88, $3  }
0x1: {  	(tag) =	ssettag $0x0;
	lr =	simm.s32 $0x1  }
0x2: {  	[smem:$0x3F99] =	sst lr;
	_ =	strace $0xD0000000  }
0x3: {  	_ = 	snop  }
0x4: {  	_ = 	snop  }
0x5: {  	_ = 	snop  }
0x6: {  	_ = 	snop  }
0x7: {  	_ = 	snop  }
__scs_overlays_trampoline_lowered:
0x8: {  	[smem:$0x3FA8] =	sst s0  }
0x9: {  	[smem:$0x3FA9] =	sst s1  }
0xa: {  	[smem:$0x3FAA] =	sst s2  }
0xb: {  	[smem:$0x3FAB] =	sst s3  }
0xc: {  	[smem:$0x3FAC] =	sst s4  }
0xd: {  	[smem:$0x3FAD] =	sst s5  }
0xe: {  	[smem:$0x3FAE] =	sst s6  }
0xf: {  	[smem:$0x3FAF] =	sst s7  }
0x10: {  	[smem:$0x3FB0] =	sst s8  }
0x11: {  	[smem:$0x3FB1] =	sst s9;
	s0 =	simm.s32 @!p0 $0x0  }
0x12: {  	s1 =	sld [smem:$0x3F97];
	s0 =	simm.s32 @p0 $0x1  }
0x13: {  	[smem:$0x3FB2] =	sst s0;
	s0 =	simm.s32 @!p1 $0x0  }
0x14: {  	s2 =	sld [smem:$0x3F96];
	s0 =	simm.s32 @p1 $0x1  }
0x15: {  	[smem:$0x3FB3] =	sst s0;
	s0 =	simm.s32 @!p2 $0x0  }
0x16: {  	s3 =	sld [smem:$0x3FDB];
	s0 =	simm.s32 @p2 $0x1  }
0x17: {  	s4 =	simm.s32 $0x1BF5;
	[smem:$0x3FB5] =	sst s0  }
0x18: {  	s0 =	sld [smem:$0x3F98];
	_ =	swait.ge [sflag:s4], $0x0  }
0x19: {  	s7 =	sld [smem:$0x3F99]  }
0x1a: {  	s8 =	sadd.s32 $0xFFFFE003, lr  }
0x1b: {  	s9 =	sadd.s32 $0xFFFFFEF7, lr;
	s5 =	simm.s32 $0xFFFFFFFF;
	p2 =	slt.u32 s8, $0xFFFFF086  }
0x1c: {  	p1 =	slt.u32 s9, $0xF7A;
	s5 =	simm.s32 @!p2 $0x0  }
0x1d: {  	s5 =	simm.s32 @p1 $0x1;
	p0 =	seq.s32 s7, s2  }
0x1e: {  	s7 =	smul.u32 @!p0 $0xF7A, s2;
	p2 =	seq.s32 @!p0 s5, $0x0  }
0x1f: {  	s9 =	smul.u32 $0xF7A, s1;
	s8 =	simm.s32 @!p0 $0x1BF5;
	p2 =	por !p2, p0  }
0x20: {  	[sflag:s8] =	ssyncset.s32 @!p0 $0xFFFFF086;
	s6 =	sadd.s32 @!p0 s3, s7;
	s7 =	simm.s32 @!p0 $0x108  }
0x21: {  	s3 =	sadd.s32 s3, s9;
	s6 =	sadd.s32 @!p0 $0x88, s6;
	s7 =	simm.s32 @p2 $0x1082  }
0x22: {  	[simem:s7], [sflag:s8] =	dma.local @!p0 [hbm:s6], $0xF7A  }
0x23: {  	s9 =	sor.u32 $0xD0000000, s2;
	s6 =	simm.s32 $0x108;
	_ =	swait.ge @!p0 [sflag:s8], $0x0  }
0x24: {  	s3 =	sadd.s32 $0x88, s3;
	s6 =	simm.s32 @!p1 $0x1082;
	[sflag:s4] =	ssyncset.s32 $0xFFFFF086  }
0x25: {  	[simem:s6], [sflag:s4] =	dma.local [hbm:s3], $0xF7A  }
0x26: {  	[smem:$0x3F99] =	sst s1;
	(tag) =	ssettag s2;
	_ =	strace s9  }
0x27: {  	s1 =	sld [smem:$0x3FA9]  }
0x28: {  	s2 =	sld [smem:$0x3FAA]  }
0x29: {  	s4 =	sld [smem:$0x3FAC]  }
0x2a: {  	p0 =	seq.s32 s5, $0x0;
	s5 =	sld [smem:$0x3FAD]  }
0x2b: {  	s6 =	sld [smem:$0x3FAE]  }
0x2c: {  	s7 =	sld [smem:$0x3FAF]  }
0x2d: {  	s3 =	simm.s32 $0x108;
	s8 =	sld [smem:$0x3FB0]  }
0x2e: {  	s3 =	simm.s32 @!p0 $0x1082;
	s9 =	sld [smem:$0x3FB1]  }
0x2f: {  	lr =	sadd.s32 s0, s3;
	s0 =	sld [smem:$0x3FA8]  }
0x30: {  	s3 =	sld [smem:$0x3FAB]  }
0x31: {  	[smem:$0x3FB4] =	sst s10  }
0x32: {  	s10 =	sld [smem:$0x3FB2];
	_ =	sdelay $0x3  }
0x33: {  	p0 =	seq.s32 s10, $0x1;
	s10 =	sld [smem:$0x3FB4];
	_ =	sdelay $0x3  }
0x34: {  	[smem:$0x3FB4] =	sst s10  }
0x35: {  	s10 =	sld [smem:$0x3FB3];
	_ =	sdelay $0x3  }
0x36: {  	p1 =	seq.s32 s10, $0x1;
	s10 =	sld [smem:$0x3FB4];
	_ =	sdelay $0x3  }
0x37: {  	[smem:$0x3FB4] =	sst s10  }
0x38: {  	s10 =	sld [smem:$0x3FB5]  }
0x39: {  	_ = 	snop;
	(pc) =	sbr.ind lr, $3  }
0x3a: {  	_ = 	snop  }
0x3b: {  	_ = 	snop  }
0x3c: {  	p2 =	seq.s32 s10, $0x1;
	s10 =	sld [smem:$0x3FB4]  }
0x3d: {  	_ =	shalt  }
0x3e: {  	_ =	shalt  }
0x3f: {  	_ =	shalt  }
0x40: {  	_ =	shalt  }
0x41: {  	_ =	shalt  }
0x42: {  	_ =	shalt  }
0x43: {  	_ =	shalt  }
0x44: {  	_ =	shalt  }
0x45: {  	_ =	shalt  }
0x46: {  	_ =	shalt  }
0x47: {  	_ =	shalt  }
0x48: {  	_ =	shalt  }
0x49: {  	_ =	shalt  }
0x4a: {  	_ =	shalt  }
0x4b: {  	_ =	shalt  }
0x4c: {  	_ =	shalt  }
0x4d: {  	_ =	shalt  }
0x4e: {  	_ =	shalt  }
0x4f: {  	_ =	shalt  }
0x50: {  	_ =	shalt  }
0x51: {  	_ =	shalt  }
0x52: {  	_ =	shalt  }
0x53: {  	_ =	shalt  }
0x54: {  	_ =	shalt  }
0x55: {  	_ =	shalt  }
0x56: {  	_ =	shalt  }
0x57: {  	_ =	shalt  }
0x58: {  	_ =	shalt  }
0x59: {  	_ =	shalt  }
0x5a: {  	_ =	shalt  }
0x5b: {  	_ =	shalt  }
0x5c: {  	_ =	shalt  }
0x5d: {  	_ =	shalt  }
0x5e: {  	_ =	shalt  }
0x5f: {  	_ =	shalt  }
0x60: {  	_ =	shalt  }
0x61: {  	_ =	shalt  }
0x62: {  	_ =	shalt  }
0x63: {  	_ =	shalt  }
0x64: {  	_ =	shalt  }
0x65: {  	_ =	shalt  }
0x66: {  	_ =	shalt  }
0x67: {  	_ =	shalt  }
0x68: {  	_ =	shalt  }
0x69: {  	_ =	shalt  }
0x6a: {  	_ =	shalt  }
0x6b: {  	_ =	shalt  }
0x6c: {  	_ =	shalt  }
0x6d: {  	_ =	shalt  }
0x6e: {  	_ =	shalt  }
0x6f: {  	_ =	shalt  }
0x70: {  	_ =	shalt  }
0x71: {  	_ =	shalt  }
0x72: {  	_ =	shalt  }
0x73: {  	_ =	shalt  }
0x74: {  	_ =	shalt  }
0x75: {  	_ =	shalt  }
0x76: {  	_ =	shalt  }
0x77: {  	_ =	shalt  }
0x78: {  	_ =	shalt  }
0x79: {  	_ =	shalt  }
0x7a: {  	_ =	shalt  }
0x7b: {  	_ =	shalt  }
0x7c: {  	_ =	shalt  }
0x7d: {  	_ =	shalt  }
0x7e: {  	_ =	shalt  }
0x7f: {  	_ =	shalt  }
0x80: {  	_ =	shalt  }
0x81: {  	_ =	shalt  }
0x82: {  	_ =	shalt  }
0x83: {  	_ =	shalt  }
0x84: {  	_ =	shalt  }
0x85: {  	_ =	shalt  }
0x86: {  	_ =	shalt  }
0x87: {  	_ =	shalt  }
.Lfunc_end0:
.L_simem_size_0:
called_computation.3_lowered:
.L_overlay_start_0:
0x88: {  	s2 =	sld [smem:$0x3FD9]  }
0x89: {  	s3 =	sld [smem:$0x3FFE];
	_ =	sdelay $0x1  }
0x8a: {  	s1 =	srdreg.scid  }
0x8b: {  	s0 =	sand.u32 $0x1, s1  }
0x8c: {  	s16 =	sshll.u32 s0, $0xA;
	s2 =	sadd.s32 s3, s2  }
0x8d: {  	s2 =	sadd.s32 s2, s16  }
0x8e: {  	[smem:$0x3FC0] =	sst s2  }
0x8f: {  	_ = 	snop  }
0x90: {  	(tm) =	ssettm $0x1  }
0x91: {  	s17 =	sld [smem:$0x3FFB];
	_ =	sdelay $0x3  }
0x92: {  	_ =	strace s17  }
0x93: {  	s2 =	sld [smem:$0x3FFC];
	_ =	sdelay $0x3  }
0x94: {  	_ =	strace s2  }
0x95: {  	s2 =	sld [smem:$0x3FFD];
	_ =	sdelay $0x3  }
0x96: {  	_ =	strace s2  }
0x97: {  	_ =	strace $0x8FFFFFFF  }
0x98: {  	s18 =	sld [smem:$0x3FDB];
	_ =	sdelay $0x1  }
0x99: {  	s19 =	simm.s32 $_scs_section_size  }
0x9a: {  	s4 =	simm.s32 $_size__tile_overlayer_lowered;
	s5 =	simm.s32 $_tile_overlayer_lowered  }
0x9b: {  	s22 =	simm.s32 $0x1BFF;
	s21 =	sshll.u32 s5, $0x1;
	s2 =	sadd.s32 s19, s18  }
0x9c: {  	s6 =	simm.s32 $0x0;
	s20 =	sshll.u32 s4, $0x1;
	s4 =	sadd.s32 s21, s2  }
0x9d: {  	[timem:s6], [sflag:s22] =	dma.local [hbm:s4], s20  }
0x9e: {  	_ =	swait.ge [sflag:s22], s20  }
0x9f: {  	s3 =	ssub.s32 $0x0, s20;
	[sflag:s22] =	ssyncset.done $0x0  }
0xa0: {  	[sflag:s22] =	ssyncadd.s32 s3;
	_ =	sdelay $0x1  }
0xa1: {  	s23 =	simm.s32 $0x1B8B  }
0xa2: {  	_ =	swait.ge [sflag:s23], $0x1  }
0xa3: {  	[sflag:s23] =	ssyncset.done $0x0  }
0xa4: {  	s25 =	simm.s32 $0x1B8E;
	s24 =	sld [smem:$0x3FFE];
	[sflag:s23] =	ssyncadd.s32 $0xFFFFFFFF  }
0xa5: {  	s26 =	simm.s32 $execute0_lowered;
	[smem:$0x3FD2] =	sst s25  }
0xa6: {  	s4 =	sshll.u32 s26, $0x1;
	_ =	strace $0x8000004F;
	[dreg:$0x1] =	wrdreg $0xFFFFFFFF  }
0xa7: {  	s28 =	simm.s32 $_size_execute0_lowered;
	s2 =	sadd.s32 s2, s4;
	[dreg:$0x0] =	wrdreg $0x0  }
0xa8: {  	s4 =	sshll.u32 s28, $0x1;
	[dreg:$0x2] =	wrdreg s2  }
0xa9: {  	[dreg:$0x3] =	wrdreg s4  }
0xaa: {  	[dreg:$0x4] =	wrdreg $0xC0  }
0xab: {  	_ =	task [dreg:s6], $0x5FFFF  }
0xac: {  	[dreg:$0x1] =	wrdreg $0xFFFFFFFF  }
0xad: {  	[dreg:$0x0] =	wrdreg $0x60  }
0xae: {  	[dreg:$0x2] =	wrdreg s24  }
0xaf: {  	[dreg:$0x3] =	wrdreg $0x50800  }
0xb0: {  	[dreg:$0x4] =	wrdreg $0x9  }
0xb1: {  	_ =	task.clear_ibuf [dreg:s6], $0x5FFFF;
	_ =	strace $0x9000004F  }
0xb2: {  	s29 =	simm.s32 $0x9;
	_ =	strace $0x80000051  }
0xb3: {  	_ =	swait.ge [sflag:s29], $0x1  }
0xb4: {  	[sflag:s29] =	ssyncadd.s32 $0xFFFFFFFF  }
0xb5: {  	_ =	strace $0x90000051  }
0xb6: {  	_ =	sfence  }
0xb7: {  	s30 =	sld [smem:$0x0];
	_ =	sdelay $0x2  }
0xb8: {  	s31 =	sshll.u32 s1, $0xD;
	s1 =	sshrl.u32 s1, $0x2  }
0xb9: {  	s3 =	sand.u32 $0x4000, s31;
	s1 =	sadd.s32 s1, s30  }
0xba: {  	s0 =	sor.u32 s3, s0;
	s1 =	sshll.u32 s1, $0x11  }
0xbb: {  	s0 =	sor.u32 s1, s0  }
0xbc: {  	s0 =	sadd.s32 $0x8F2B, s0  }
0xbd: {  	[sflag:s0] =	ssyncadd.remote.s32 $0x1  }
0xbe: {  	_ =	sfence.sel $0xFFFF  }
0xbf: {  	[dreg:$0x0] =	wrdreg $0xFFFFFFFF;
	(pc) =	sbr.abs _section_cstart, $3  }
0xc0: {  	[dreg:$0x1] =	wrdreg $0xFFFFFFFF  }
0xc1: {  	_ =	task.clear_ibuf [dreg:s6], $0x2FFFF;
	_ =	strace $0x9FFFFFFF  }
0xc2: {  	(tm) =	ssettm $0x7FFFFFFF  }
0xc3: {  	_ =	shalt  }
tec
execute0_lowered:
.L_overlay_start_1:
0x0: {  	(tag) =	ssettag $0x1  }
0x1: {  	s6 =	rddreg [dreg:$0x0]  }
0x2: {  	s0 =	srdreg.scid;
	s2 =	rddreg [dreg:$0x1]  }
0x3: {  	s3 =	simm.s32 $0x0;
	s14 =	simm.s32 $0x80;
	s15 =	simm.s32 $0x5000  }
0x4: {  	s16 =	simm.s32 $0x1;
	s17 =	simm.s32 $0x20;
	s18 =	simm.s32 $0x10  }
0x5: {  	s19 =	simm.s32 $0x0;
	s5 =	sand.u32 $0x1, s0;
	s0 =	stileid.u32  }
0x6: {  	[smem:$0x7FF] =	sst s3;
	s1 =	sshll.u32 s5, $0x4;
	s8 =	smul.u32 $0x500, s0  }
0x7: {  	s9 =	smul.u32 $0x280, s0;
	s10 =	sshll.u32 s5, $0x7;
	s5 =	ssub.s32 $0x2, s5  }
0x8: {  	s31 =	sshll.u32 s0, $0x6;
	s4 =	sor.u32 s0, s1;
	s1 =	rddreg [dreg:$0x2]  }
0x9: {  	_ =	strace $0x80000050;
	s30 =	sshrl.u32 s5, $0x1;
	s7 =	smul.u32 $0x500, s4  }
0xa: {  	s4 =	sadd.s32 $0xCA00, s6;
	s26 =	sor.u32 s10, s8;
	s28 =	sshrl.u32 s9, $0x3  }
0xb: {  	s12 =	ssub.s32 s5, s30;
	s13 =	sadd.s32 s9, s2;
	s8 =	sadd.s32 s28, s6  }
0xc: {  	s10 =	smax.u32 s12, $0x1;
	s11 =	sadd.s32 s7, s6;
	s7 =	sshrl.u32 s26, $0x3  }
0xd: {  	s12 =	simm.s32 $0x2;
	s5 =	sadd.s32 $0xC400, s8;
	s29 =	sadd.s32 s7, s6  }
0xe: {  	s6 =	sor.u32 $0x1C02, s31;
	s7 =	sadd.s32 $0xD400, s11;
	s8 =	sadd.s32 $0x2400, s11  }
0xf: {  	s11 =	sshrl.u32 s13, $0x3;
	s13 =	simm.s32 $0x2800;
	s9 =	sadd.s32 $0x17400, s29  }
.LBB2_1:
0x10: {  	[spmem:s11], [sflag:s6] =	dma.local [hbm:s5], $0x50  }
0x11: {  	_ =	swait.ge [sflag:s12], $0x50  }
0x12: {  	[sflag:s12] =	ssyncset.done $0x0  }
0x13: {  	[sflag:s12] =	ssyncadd.s32 $0xFFFFFFB0  }
0x14: {  	[tilespmem:s3], [sflag:$0x2] =	stream.linear.gather [hbm4b:s7+s3], $0x2780, $0x38;
	[tilespmem:$0x5300] =	vst v63  }
0x15: {  	_ =	swait.ge [sflag:s12], $0x2780  }
0x16: {  	[sflag:s12] =	ssyncset.done $0x0  }
0x17: {  	[sflag:s12] =	ssyncadd.s32 $0xFFFFD880  }
0x18: {  	[tilespmem:s13], [sflag:$0x2] =	stream.linear.gather [hbm4b:s8+s3], $0x2780, $0x38;
	[tilespmem:$0x5300] =	vst v63  }
0x19: {  	_ =	swait.ge [sflag:s12], $0x2780  }
0x1a: {  	[sflag:s12] =	ssyncset.done $0x0  }
0x1b: {  	[sflag:s12] =	ssyncadd.s32 $0xFFFFD880  }
0x1c: {  	s20 =	simm.s32 $0x0;
	[bflag:$0x0] =	sbarrier.arrive $0xFFFF  }
0x1d: {  	[tilespmem:s15], [sflag:$0x1] =	stream.indirect.gather [hbm4b:s4+s14], $0x1, s20, s14, $0xb8;
	[tilespmem:$0x5300] =	vst v63  }
0x1e: {  	_ =	swait.ge [sflag:s16], $0x80  }
0x1f: {  	[sflag:s16] =	ssyncset.done $0x0  }
0x20: {  	s31 =	simm.s32 $0x2800;
	[sflag:s16] =	ssyncadd.s32 $0xFFFFFF80  }
0x21: {  	[spmem:s2] =	stream.indirect.scatter.add.f32 [tilespmem:s15], [sflag:$0x2], $0x1, s31, s14, $0xb8;
	[tilespmem:$0x5300] =	vst v63  }
0x22: {  	_ =	swait.ge [sflag:s12], $0x80  }
0x23: {  	s21 =	simm.s32 $0x400;
	s20 =	simm.s32 $0x200;
	[sflag:s12] =	ssyncset.done $0x0  }
.LBB2_2:
0x24: {  	s22 =	sshra.s32 s20, $0x2  }
0x25: {  	[sflag:s12] =	ssyncadd.s32 $0xFFFFFF80;
	s20 =	smov.u32 s21;
	s23 =	sadd.s32 $0x200, s21  }
0x26: {  	[tilespmem:s15], [sflag:$0x1] =	stream.indirect.gather [hbm4b:s4+s14], $0x1, s22, s14, $0xb8;
	[tilespmem:$0x5300] =	vst v63  }
0x27: {  	p0 =	sne.s32 s21, $0x9C00;
	_ =	swait.ge [sflag:s16], $0x80  }
.Ltmp0:
0x28: {  	[sflag:s16] =	ssyncset.done $0x0;
	(pc) =	sbr.rel @p0 .LBB2_2-.Ltmp0, $4  }
0x29: {  	s21 =	sadd.s32 $0x2800, s22;
	[sflag:s16] =	ssyncadd.s32 $0xFFFFFF80  }
0x2a: {  	[spmem:s2] =	stream.indirect.scatter.add.f32 [tilespmem:s15], [sflag:$0x2], $0x1, s21, s14, $0xb8;
	[tilespmem:$0x5300] =	vst v63  }
0x2b: {  	_ =	swait.ge [sflag:s12], $0x80  }
0x2c: {  	s21 =	smov.u32 s23;
	[sflag:s12] =	ssyncset.done $0x0  }
0x2d: {  	s20 =	sshra.s32 s20, $0x2;
	[sflag:s12] =	ssyncadd.s32 $0xFFFFFF80  }
0x2e: {  	[tilespmem:s15], [sflag:$0x1] =	stream.indirect.gather [hbm4b:s4+s14], $0x1, s20, s14, $0xb8;
	[tilespmem:$0x5300] =	vst v63  }
0x2f: {  	_ =	swait.ge [sflag:s16], $0x80  }
0x30: {  	[sflag:s16] =	ssyncset.done $0x0  }
0x31: {  	s20 =	sadd.s32 $0x2800, s20;
	[sflag:s16] =	ssyncadd.s32 $0xFFFFFF80  }
0x32: {  	[spmem:s2] =	stream.indirect.scatter.add.f32 [tilespmem:s15], [sflag:$0x2], $0x1, s20, s14, $0xb8;
	[tilespmem:$0x5300] =	vst v63  }
0x33: {  	_ =	swait.ge [sflag:s12], $0x80  }
0x34: {  	s19 =	sadd.s32 $0x1, s19;
	[sflag:s12] =	ssyncset.done $0x0  }
0x35: {  	p0 =	sne.s32 s19, s10;
	[sflag:s12] =	ssyncadd.s32 $0xFFFFFF80  }
.Ltmp1:
0x36: {  	[bflag:$0x0] =	sbarrier.arrive $0xFFFF;
	(pc) =	sbr.rel @p0 .LBB2_1-.Ltmp1, $4  }
0x37: {  	[hbm:s9@s17], [sflag:s6] =	dma.strided [spmem:s11@s18], $0x50, s16, $0x10   }
0x38: {  	_ =	swait.ge [sflag:s12], $0x50  }
0x39: {  	[sflag:s12] =	ssyncset.done $0x0  }
0x3a: {  	[sflag:s12] =	ssyncadd.s32 $0xFFFFFFB0  }
0x3b: {  	_ =	sfence.sel $0x180000  }
0x3c: {  	[bflag:$0x0] =	sbarrier.arrive $0xFFFF  }
0x3d: {  	p0 =	sne.s32 s0, $0x0;
	_ =	strace $0x90000050  }
0x3e: {  	s0 =	sadd.s32 @!p0 $0x100000, s1;
	[bflag:$0x2] =	sbarrier.arrive $0xFFFF  }
0x3f: {  	[sflag:s0] =	ssyncadd.tile.s32 @!p0 $0x1;
	_ =	shalt  }
.Lfunc_end2:
_tile_overlayer_lowered:
.L_overlay_start_2:
0x40: {  	(tag) =	ssettag $0x2  }
0x41: {  	s0 =	rddreg [dreg:$0x0];
	s2 =	stileid.u32  }
0x42: {  	s1 =	rddreg [dreg:$0x1];
	p0 =	sne.s32 s2, $0x0  }
0x43: {  	s3 =	rddreg [dreg:$0x2];
	[bflag:$0x3] =	sbarrier.arrive $0xFFFF;
	s2 =	simm.s32 @!p0 $0x1C02  }
0x44: {  	[timem:s3], [sflag:s2] =	dma.local @!p0 [hbm:s0], s1  }
0x45: {  	s0 =	simm.s32 @!p0 $0x2  }
0x46: {  	_ =	swait.ge @!p0 [sflag:s0], s1  }
0x47: {  	s1 =	ssub.s32 @!p0 $0x0, s1;
	[sflag:s0] =	ssyncset.done @!p0 $0x0  }
0x48: {  	[sflag:s0] =	ssyncadd.s32 @!p0 s1  }
0x49: {  	[bflag:$0x3] =	sbarrier.arrive $0xFFFF  }
0x4a: {  	_ =	shalt  }

</sc_bundles>
